<compile_context>
chip_gen: v7x
topology: tpu7x:2x2x1
jax: 0.10.2.dev20260603
libtpu: 0.0.44.dev20260713+nightly
codegen_flags: <defaults>
</compile_context>

<pallas_src>
import functools

import jax
import jax.numpy as jnp
from jax import lax
from jax.experimental import pallas as pl
from jax.experimental.pallas import tpu as pltpu
from jax.experimental.pallas import tpu_sc as plsc

N = 10000
E = 320000
F = 128
FH = F // 2
C = 40
D1 = 72
D3 = 48
K = 128
NW = 32
NT = 16
CHUNKS = E // K
ROWS_PER_TILE = N // NT
NB1 = 4
NB3 = 6


_MESH = plsc.VectorSubcoreMesh(core_axis_name="c", subcore_axis_name="s")
_SC_PARAMS = pltpu.CompilerParams(use_tc_tiling_on_sc=False)




def _gather_scatter(table_ref, src_v, dst_v, rows_v, acc_sh, sem,
                    nchunks, nhi, nb):
    for b in range(nb):
        pltpu.async_copy(table_ref.at[src_v.at[b]], rows_v.at[b], sem.at[b])

    def group(g, carry):
        for b in range(nb):
            c = g * nb + b

            @pl.when(c < nchunks)
            def _():
                pltpu.make_async_copy(table_ref.at[src_v.at[c]],
                                      rows_v.at[b], sem.at[b]).wait()
                pltpu.sync_copy(rows_v.at[b], acc_sh.at[dst_v.at[c]], add=True)

                @pl.when(c + nb < nchunks)
                def _():
                    pltpu.async_copy(table_ref.at[src_v.at[c + nb]],
                                     rows_v.at[b], sem.at[b])
        return carry
    lax.fori_loop(0, (nhi + nb - 1) // nb, group, 0)


_NC1_LO = CHUNKS // NT
_EX1 = CHUNKS - _NC1_LO * NT
_NC1_HI = _NC1_LO + 1


@functools.partial(
    pl.kernel,
    out_type=jax.ShapeDtypeStruct((2, N, D1), jnp.float32),
    mesh=_MESH,
    compiler_params=_SC_PARAMS,
    scratch_types=[
        pltpu.VMEM((_NC1_HI, K), jnp.int32),
        pltpu.VMEM((_NC1_HI, K), jnp.int32),
        pltpu.VMEM((NB1, K, D1), jnp.float32),
        pltpu.VMEM_SHARED((N, D1), jnp.float32),
        pltpu.SemaphoreType.DMA((NB1,)),
        pltpu.SemaphoreType.DMA((2,)),
    ],
)
def _agg_d1(edge_ref, t_ref, z_ref, out_ref, src_v, dst_v, rows_v,
            acc_sh, sem, isem):
    cid = lax.axis_index("c")
    sid = lax.axis_index("s")
    start = sid * _NC1_LO + jnp.maximum(sid - (NT - _EX1), 0)
    nchunks = jnp.where(sid >= NT - _EX1, _NC1_HI, _NC1_LO)
    isrc = pltpu.async_copy(edge_ref.at[0, pl.ds(start, _NC1_HI)], src_v, isem.at[0])
    idst = pltpu.async_copy(edge_ref.at[1, pl.ds(start, _NC1_HI)], dst_v, isem.at[1])
    pltpu.async_copy(
        z_ref, acc_sh.at[pl.ds(sid * ROWS_PER_TILE, ROWS_PER_TILE)],
        sem.at[0]).wait()
    isrc.wait()
    idst.wait()
    plsc.subcore_barrier()
    _gather_scatter(t_ref.at[cid], src_v, dst_v, rows_v, acc_sh, sem,
                    nchunks, _NC1_HI, NB1)
    plsc.subcore_barrier()
    pltpu.sync_copy(acc_sh.at[pl.ds(sid * ROWS_PER_TILE, ROWS_PER_TILE)],
                    out_ref.at[cid, pl.ds(sid * ROWS_PER_TILE, ROWS_PER_TILE)])


_NC3_LO = CHUNKS // NW
_EX3 = CHUNKS - _NC3_LO * NW
_NC3_HI = _NC3_LO + 1


@functools.partial(
    pl.kernel,
    out_type=jax.ShapeDtypeStruct((2, N, D3), jnp.float32),
    mesh=_MESH,
    compiler_params=_SC_PARAMS,
    scratch_types=[
        pltpu.VMEM((_NC3_HI, K), jnp.int32),
        pltpu.VMEM((_NC3_HI, K), jnp.int32),
        pltpu.VMEM((NB3, K, D3), jnp.float32),
        pltpu.VMEM_SHARED((N, D3), jnp.float32),
        pltpu.SemaphoreType.DMA((NB3,)),
        pltpu.SemaphoreType.DMA((2,)),
    ],
)
def _agg_d3(edge_ref, table_ref, z_ref, out_ref, src_v, dst_v, rows_v,
            acc_sh, sem, isem):
    cid = lax.axis_index("c")
    sid = lax.axis_index("s")
    wid = sid * 2 + cid
    start = wid * _NC3_LO + jnp.maximum(wid - (NW - _EX3), 0)
    nchunks = jnp.where(wid >= NW - _EX3, _NC3_HI, _NC3_LO)
    isrc = pltpu.async_copy(edge_ref.at[0, pl.ds(start, _NC3_HI)], src_v, isem.at[0])
    idst = pltpu.async_copy(edge_ref.at[1, pl.ds(start, _NC3_HI)], dst_v, isem.at[1])
    pltpu.async_copy(
        z_ref, acc_sh.at[pl.ds(sid * ROWS_PER_TILE, ROWS_PER_TILE)],
        sem.at[0]).wait()
    isrc.wait()
    idst.wait()
    plsc.subcore_barrier()
    _gather_scatter(table_ref, src_v, dst_v, rows_v, acc_sh, sem,
                    nchunks, _NC3_HI, NB3)
    plsc.subcore_barrier()
    pltpu.sync_copy(acc_sh.at[pl.ds(sid * ROWS_PER_TILE, ROWS_PER_TILE)],
                    out_ref.at[cid, pl.ds(sid * ROWS_PER_TILE, ROWS_PER_TILE)])


def _k1_body(x_ref, wa_ref, wb_ref, t_ref):
    col = lax.broadcasted_iota(jnp.int32, (N, D1), 1)
    t_ref[0] = (jnp.dot(x_ref[:], wa_ref[:], preferred_element_type=jnp.float32)
                + jnp.where(col == FH, 1.0, 0.0).astype(jnp.float32))
    t_ref[1] = jnp.dot(x_ref[:], wb_ref[:], preferred_element_type=jnp.float32)


def _k2_body(x_ref, w1s_ref, b1_ref, acc_ref, w3n_ref, w3s_ref, b3_ref,
             t3p_ref, outself_ref):
    deg = jnp.maximum(acc_ref[0, :, FH:FH + 1], 1.0)
    neigh = jnp.concatenate([acc_ref[0, :, :FH], acc_ref[1, :, :FH]], axis=1)
    h1 = jnp.maximum(
        jnp.dot(x_ref[:], w1s_ref[:], preferred_element_type=jnp.float32)
        + neigh / deg + b1_ref[:], 0.0)
    col = lax.broadcasted_iota(jnp.int32, (N, D3), 1)
    t3p_ref[:] = (jnp.dot(h1, w3n_ref[:], preferred_element_type=jnp.float32)
                  + jnp.where(col == C, 1.0, 0.0).astype(jnp.float32))
    outself_ref[:] = (jnp.dot(h1, w3s_ref[:], preferred_element_type=jnp.float32)
                      + b3_ref[:])


def _k3_body(outself_ref, acc_ref, out_ref):
    acc = acc_ref[0] + acc_ref[1]
    deg = jnp.maximum(acc[:, C:C + 1], 1.0)
    out_ref[:] = outself_ref[:] + acc[:, :C] / deg


_k1 = pl.pallas_call(
    _k1_body, out_shape=jax.ShapeDtypeStruct((2, N, D1), jnp.float32))

_k2 = pl.pallas_call(
    _k2_body,
    out_shape=(jax.ShapeDtypeStruct((N, D3), jnp.float32),
               jax.ShapeDtypeStruct((N, C), jnp.float32)),
)

_k3 = pl.pallas_call(_k3_body, out_shape=jax.ShapeDtypeStruct((N, C), jnp.float32))


def kernel(x, edge_index, W1_self, W1_neigh, b1, W2_self, W2_neigh, b2,
           W3_self, W3_neigh, b3):
    w1na = jnp.pad(W1_neigh[:, :FH], ((0, 0), (0, D1 - FH)))
    w1nb = jnp.pad(W1_neigh[:, FH:], ((0, 0), (0, D1 - FH)))
    w3n_pad = jnp.pad(W3_neigh, ((0, 0), (0, D3 - C)))
    e3 = edge_index.reshape(2, CHUNKS, K)
    t1 = _k1(x, w1na, w1nb)
    acc1 = _agg_d1(e3, t1, jnp.zeros((ROWS_PER_TILE, D1), jnp.float32))
    t3p, out_self = _k2(x, W1_self, b1.reshape(1, F), acc1, w3n_pad,
                        W3_self, b3.reshape(1, C))
    acc3 = _agg_d3(e3, t3p, jnp.zeros((ROWS_PER_TILE, D3), jnp.float32))
    return _k3(out_self, acc3)

# --- scband reference (transcript-rebuilt; emitter-appended) ---
"""Pipeline reference for scband-graph-sage-17506286698960 (READ-ONLY COPY).

The authoritative reference and input builder live on the scoring server;
editing this copy changes nothing except your own understanding.
"""

import jax, jax.numpy as jnp
import numpy as np

N_NODES = 10000
N_EDGES = 320000
IN_FEATS = 128
H_FEATS = 128
H_FEAT2 = 128
NUM_CLASSES = 40


def _glorot(key, shape):
    fan_in, fan_out = shape[0], shape[1]
    limit = jnp.sqrt(6.0 / (fan_in + fan_out))
    return jax.random.uniform(key, shape, dtype=jnp.float32, minval=-limit, maxval=limit)


def setup_inputs(seed: int = 0) -> dict:
    key = jax.random.key(seed)
    ks = jax.random.split(key, 12)
    x = jax.random.normal(ks[0], (N_NODES, IN_FEATS), dtype=jnp.float32)
    edge_index = jax.random.randint(ks[1], (2, N_EDGES), 0, N_NODES, dtype=jnp.int64 if jax.config.jax_enable_x64 else jnp.int32).astype(jnp.int32)
    W1_self = _glorot(ks[2], (IN_FEATS, H_FEATS))
    W1_neigh = _glorot(ks[3], (IN_FEATS, H_FEATS))
    b1 = jnp.zeros((H_FEATS,), dtype=jnp.float32)
    W2_self = _glorot(ks[4], (H_FEATS, H_FEAT2))
    W2_neigh = _glorot(ks[5], (H_FEATS, H_FEAT2))
    b2 = jnp.zeros((H_FEAT2,), dtype=jnp.float32)
    W3_self = _glorot(ks[6], (H_FEAT2, NUM_CLASSES))
    W3_neigh = _glorot(ks[7], (H_FEAT2, NUM_CLASSES))
    b3 = jnp.zeros((NUM_CLASSES,), dtype=jnp.float32)
    return {"x": x, "edge_index": edge_index,
            "W1_self": W1_self, "W1_neigh": W1_neigh, "b1": b1,
            "W2_self": W2_self, "W2_neigh": W2_neigh, "b2": b2,
            "W3_self": W3_self, "W3_neigh": W3_neigh, "b3": b3}


def _sage_conv(x, src, dst, W_self, W_neigh, b):
    # DGL SAGEConv with 'mean' aggregator:
    # h_neigh = mean over incoming neighbors; rst = x @ W_self + h_neigh @ W_neigh + b
    msg = jnp.take(x, src, axis=0)
    agg = jax.ops.segment_sum(msg, dst, num_segments=N_NODES)
    deg = jax.ops.segment_sum(jnp.ones((src.shape[0],), dtype=x.dtype), dst, num_segments=N_NODES)
    h_neigh = agg / jnp.maximum(deg, 1.0)[:, None]
    return x @ W_self + h_neigh @ W_neigh + b


def reference(x, edge_index, W1_self, W1_neigh, b1, W2_self, W2_neigh, b2, W3_self, W3_neigh, b3):
    src = edge_index[0]
    dst = edge_index[1]
    h1 = _sage_conv(x, src, dst, W1_self, W1_neigh, b1)
    h1 = jax.nn.relu(h1)
    h2 = _sage_conv(h1, src, dst, W2_self, W2_neigh, b2)
    # faithful to the original module: h2 is overwritten by relu(h1) (a bug in the source)
    h2 = jax.nn.relu(h1)
    h3 = _sage_conv(h2, src, dst, W3_self, W3_neigh, b3)
    return h3

if __name__ == "__main__":
    import jax
    _d = setup_inputs()
    print(jax.jit(kernel)(*tuple(_d.values())))

</pallas_src>

<mosaic_0001>
#map = affine_map<(d0, d1) -> (0, 0, 0)>
#map1 = affine_map<(d0, d1) -> (0, 0)>
module attributes {stable_mosaic.version = 14 : i64} {
  func.func @_agg_d3(%arg0: i32, %arg1: i32, %arg2: memref<2x2500x128xi32, #tpu.memory_space<hbm>>, %arg3: memref<10000x48xf32, #tpu.memory_space<hbm>>, %arg4: memref<625x48xf32, #tpu.memory_space<hbm>>, %arg5: memref<2x10000x48xf32, #tpu.memory_space<hbm>>, %arg6: memref<79x128xi32, #tpu.memory_space<vmem>>, %arg7: memref<79x128xi32, #tpu.memory_space<vmem>>, %arg8: memref<6x128x48xf32, #tpu.memory_space<vmem>>, %arg9: memref<10000x48xf32, #tpu.memory_space<vmem_shared>>, %arg10: memref<6x!tpu.dma_semaphore, #tpu.memory_space<semaphore_mem>>, %arg11: memref<2x!tpu.dma_semaphore, #tpu.memory_space<semaphore_mem>>) attributes {dimension_semantics = [#tpu.dimension_semantics<core_parallel>, #tpu.dimension_semantics<subcore_parallel>], iteration_bounds = array<i64: 2, 16>, scalar_prefetch = 0 : i64, scratch_operands = 6 : i64, tpu.core_type = #tpu.core_type<sc_vector_subcore>, window_params = [{transform_indices = #map}, {transform_indices = #map1}, {transform_indices = #map1}, {transform_indices = #map}]} {
    %mul3A = arith.constant 2 : i32
    %mul3A_0 = arith.muli %arg1, %mul3A : i32
    %add3A = arith.addi %mul3A_0, %arg0 : i32
    %mul3A_1 = arith.constant 78 : i32
    %mul3A_2 = arith.muli %add3A, %mul3A_1 : i32
    %sub3A = arith.constant 28 : i32
    %sub3A_3 = arith.subi %add3A, %sub3A : i32
    %max3A = arith.constant 0 : i32
    %max3A_4 = arith.maxsi %sub3A_3, %max3A : i32
    %add3A_5 = arith.addi %mul3A_2, %max3A_4 : i32
    %ge3A = arith.constant 28 : i32
    %ge3A_6 = arith.cmpi sge, %add3A, %ge3A : i32
    %jit3A = arith.constant 79 : i32
    %jit3A_7 = arith.constant 78 : i32
    %select_n3A = arith.select %ge3A_6, %jit3A, %jit3A_7 : i32
    %dma_start3A = arith.constant 0 : i32
    %dma_start3A_8 = arith.constant 0 : i32
    %dma_start3A_9 = arith.constant 0 : i32
    %dma_start3A_10 = tpu.memref_slice %arg2[%dma_start3A, %add3A_5, %dma_start3A_9] : memref<2x2500x128xi32, #tpu.memory_space<hbm>> -> memref<1x79x128xi32, #tpu.memory_space<hbm>>
    %dma_start3A_11 = tpu.memref_squeeze %dma_start3A_10 : memref<1x79x128xi32, #tpu.memory_space<hbm>> -> memref<79x128xi32, #tpu.memory_space<hbm>>
    %dma_start3A_12 = tpu.memref_slice %arg11[%dma_start3A_8] : memref<2x!tpu.dma_semaphore, #tpu.memory_space<semaphore_mem>> -> memref<1x!tpu.dma_semaphore, #tpu.memory_space<semaphore_mem>>
    %dma_start3A_13 = tpu.memref_squeeze %dma_start3A_12 : memref<1x!tpu.dma_semaphore, #tpu.memory_space<semaphore_mem>> -> memref<!tpu.dma_semaphore, #tpu.memory_space<semaphore_mem>>
    %dma_start3A_14 = arith.constant 0 : i32
    %dma_start3A_15 = tpu.memref_slice %arg2[%dma_start3A, %add3A_5, %dma_start3A_14] : memref<2x2500x128xi32, #tpu.memory_space<hbm>> -> memref<1x79x128xi32, #tpu.memory_space<hbm>>
    %dma_start3A_16 = tpu.memref_squeeze %dma_start3A_15 : memref<1x79x128xi32, #tpu.memory_space<hbm>> -> memref<79x128xi32, #tpu.memory_space<hbm>>
    tpu.enqueue_dma source(%dma_start3A_16 : memref<79x128xi32, #tpu.memory_space<hbm>>) target(%arg6 : memref<79x128xi32, #tpu.memory_space<vmem>>) target_semaphore(%dma_start3A_13 : memref<!tpu.dma_semaphore, #tpu.memory_space<semaphore_mem>>)
    %dma_start3A_17 = arith.constant 1 : i32
    %dma_start3A_18 = arith.constant 1 : i32
    %dma_start3A_19 = arith.constant 0 : i32
    %dma_start3A_20 = tpu.memref_slice %arg2[%dma_start3A_17, %add3A_5, %dma_start3A_19] : memref<2x2500x128xi32, #tpu.memory_space<hbm>> -> memref<1x79x128xi32, #tpu.memory_space<hbm>>
    %dma_start3A_21 = tpu.memref_squeeze %dma_start3A_20 : memref<1x79x128xi32, #tpu.memory_space<hbm>> -> memref<79x128xi32, #tpu.memory_space<hbm>>
    %dma_start3A_22 = tpu.memref_slice %arg11[%dma_start3A_18] : memref<2x!tpu.dma_semaphore, #tpu.memory_space<semaphore_mem>> -> memref<1x!tpu.dma_semaphore, #tpu.memory_space<semaphore_mem>>
    %dma_start3A_23 = tpu.memref_squeeze %dma_start3A_22 : memref<1x!tpu.dma_semaphore, #tpu.memory_space<semaphore_mem>> -> memref<!tpu.dma_semaphore, #tpu.memory_space<semaphore_mem>>
    %dma_start3A_24 = arith.constant 0 : i32
    %dma_start3A_25 = tpu.memref_slice %arg2[%dma_start3A_17, %add3A_5, %dma_start3A_24] : memref<2x2500x128xi32, #tpu.memory_space<hbm>> -> memref<1x79x128xi32, #tpu.memory_space<hbm>>
    %dma_start3A_26 = tpu.memref_squeeze %dma_start3A_25 : memref<1x79x128xi32, #tpu.memory_space<hbm>> -> memref<79x128xi32, #tpu.memory_space<hbm>>
    tpu.enqueue_dma source(%dma_start3A_26 : memref<79x128xi32, #tpu.memory_space<hbm>>) target(%arg7 : memref<79x128xi32, #tpu.memory_space<vmem>>) target_semaphore(%dma_start3A_23 : memref<!tpu.dma_semaphore, #tpu.memory_space<semaphore_mem>>)
    %mul3A_27 = arith.constant 625 : i32
    %mul3A_28 = arith.muli %arg1, %mul3A_27 : i32
    %dma_start3A_29 = arith.constant 0 : i32
    %dma_start3A_30 = tpu.memref_slice %arg10[%dma_start3A_29] : memref<6x!tpu.dma_semaphore, #tpu.memory_space<semaphore_mem>> -> memref<1x!tpu.dma_semaphore, #tpu.memory_space<semaphore_mem>>
    %dma_start3A_31 = tpu.memref_squeeze %dma_start3A_30 : memref<1x!tpu.dma_semaphore, #tpu.memory_space<semaphore_mem>> -> memref<!tpu.dma_semaphore, #tpu.memory_space<semaphore_mem>>
    %dma_start3A_32 = arith.constant 0 : i32
    %dma_start3A_33 = tpu.memref_slice %arg9[%mul3A_28, %dma_start3A_32] : memref<10000x48xf32, #tpu.memory_space<vmem_shared>> -> memref<625x48xf32, #tpu.memory_space<vmem_shared>>
    tpu.enqueue_dma source(%arg4 : memref<625x48xf32, #tpu.memory_space<hbm>>) target(%dma_start3A_33 : memref<625x48xf32, #tpu.memory_space<vmem_shared>>) target_semaphore(%dma_start3A_31 : memref<!tpu.dma_semaphore, #tpu.memory_space<semaphore_mem>>)
    %dma_wait3A = arith.constant 0 : i32
    %dma_wait3A_34 = tpu.memref_slice %arg10[%dma_wait3A] : memref<6x!tpu.dma_semaphore, #tpu.memory_space<semaphore_mem>> -> memref<1x!tpu.dma_semaphore, #tpu.memory_space<semaphore_mem>>
    %dma_wait3A_35 = tpu.memref_squeeze %dma_wait3A_34 : memref<1x!tpu.dma_semaphore, #tpu.memory_space<semaphore_mem>> -> memref<!tpu.dma_semaphore, #tpu.memory_space<semaphore_mem>>
    %dma_wait3A_36 = arith.constant 0 : i32
    %dma_wait3A_37 = tpu.memref_slice %arg9[%mul3A_28, %dma_wait3A_36] : memref<10000x48xf32, #tpu.memory_space<vmem_shared>> -> memref<625x48xf32, #tpu.memory_space<vmem_shared>>
    tpu.wait_dma2 semaphore(%dma_wait3A_35 : memref<!tpu.dma_semaphore, #tpu.memory_space<semaphore_mem>>) src(%arg4 : memref<625x48xf32, #tpu.memory_space<hbm>>) dst(%dma_wait3A_37 : memref<625x48xf32, #tpu.memory_space<vmem_shared>>)
    %dma_wait3A_38 = arith.constant 0 : i32
    %dma_wait3A_39 = arith.constant 0 : i32
    %dma_wait3A_40 = arith.constant 0 : i32
    %dma_wait3A_41 = tpu.memref_slice %arg2[%dma_wait3A_38, %add3A_5, %dma_wait3A_40] : memref<2x2500x128xi32, #tpu.memory_space<hbm>> -> memref<1x79x128xi32, #tpu.memory_space<hbm>>
    %dma_wait3A_42 = tpu.memref_squeeze %dma_wait3A_41 : memref<1x79x128xi32, #tpu.memory_space<hbm>> -> memref<79x128xi32, #tpu.memory_space<hbm>>
    %dma_wait3A_43 = tpu.memref_slice %arg11[%dma_wait3A_39] : memref<2x!tpu.dma_semaphore, #tpu.memory_space<semaphore_mem>> -> memref<1x!tpu.dma_semaphore, #tpu.memory_space<semaphore_mem>>
    %dma_wait3A_44 = tpu.memref_squeeze %dma_wait3A_43 : memref<1x!tpu.dma_semaphore, #tpu.memory_space<semaphore_mem>> -> memref<!tpu.dma_semaphore, #tpu.memory_space<semaphore_mem>>
    %dma_wait3A_45 = arith.constant 0 : i32
    %dma_wait3A_46 = tpu.memref_slice %arg2[%dma_wait3A_38, %add3A_5, %dma_wait3A_45] : memref<2x2500x128xi32, #tpu.memory_space<hbm>> -> memref<1x79x128xi32, #tpu.memory_space<hbm>>
    %dma_wait3A_47 = tpu.memref_squeeze %dma_wait3A_46 : memref<1x79x128xi32, #tpu.memory_space<hbm>> -> memref<79x128xi32, #tpu.memory_space<hbm>>
    tpu.wait_dma2 semaphore(%dma_wait3A_44 : memref<!tpu.dma_semaphore, #tpu.memory_space<semaphore_mem>>) src(%dma_wait3A_47 : memref<79x128xi32, #tpu.memory_space<hbm>>) dst(%arg6 : memref<79x128xi32, #tpu.memory_space<vmem>>)
    %dma_wait3A_48 = arith.constant 1 : i32
    %dma_wait3A_49 = arith.constant 1 : i32
    %dma_wait3A_50 = arith.constant 0 : i32
    %dma_wait3A_51 = tpu.memref_slice %arg2[%dma_wait3A_48, %add3A_5, %dma_wait3A_50] : memref<2x2500x128xi32, #tpu.memory_space<hbm>> -> memref<1x79x128xi32, #tpu.memory_space<hbm>>
    %dma_wait3A_52 = tpu.memref_squeeze %dma_wait3A_51 : memref<1x79x128xi32, #tpu.memory_space<hbm>> -> memref<79x128xi32, #tpu.memory_space<hbm>>
    %dma_wait3A_53 = tpu.memref_slice %arg11[%dma_wait3A_49] : memref<2x!tpu.dma_semaphore, #tpu.memory_space<semaphore_mem>> -> memref<1x!tpu.dma_semaphore, #tpu.memory_space<semaphore_mem>>
    %dma_wait3A_54 = tpu.memref_squeeze %dma_wait3A_53 : memref<1x!tpu.dma_semaphore, #tpu.memory_space<semaphore_mem>> -> memref<!tpu.dma_semaphore, #tpu.memory_space<semaphore_mem>>
    %dma_wait3A_55 = arith.constant 0 : i32
    %dma_wait3A_56 = tpu.memref_slice %arg2[%dma_wait3A_48, %add3A_5, %dma_wait3A_55] : memref<2x2500x128xi32, #tpu.memory_space<hbm>> -> memref<1x79x128xi32, #tpu.memory_space<hbm>>
    %dma_wait3A_57 = tpu.memref_squeeze %dma_wait3A_56 : memref<1x79x128xi32, #tpu.memory_space<hbm>> -> memref<79x128xi32, #tpu.memory_space<hbm>>
    tpu.wait_dma2 semaphore(%dma_wait3A_54 : memref<!tpu.dma_semaphore, #tpu.memory_space<semaphore_mem>>) src(%dma_wait3A_57 : memref<79x128xi32, #tpu.memory_space<hbm>>) dst(%arg7 : memref<79x128xi32, #tpu.memory_space<vmem>>)
    %barrier3A = arith.constant 0 : index
    tpu.barrier barrier_id(%barrier3A)
    %dma_start3A_58 = arith.constant 0 : i32
    %dma_start3A_59 = arith.constant 0 : i32
    %dma_start3A_60 = arith.constant 0 : i32
    %dma_start3A_61 = arith.constant 0 : i32
    %dma_start3A_62 = arith.constant 0 : i32
    %dma_start3A_63 = tpu.memref_slice %arg8[%dma_start3A_59, %dma_start3A_61, %dma_start3A_62] : memref<6x128x48xf32, #tpu.memory_space<vmem>> -> memref<1x128x48xf32, #tpu.memory_space<vmem>>
    %dma_start3A_64 = tpu.memref_squeeze %dma_start3A_63 : memref<1x128x48xf32, #tpu.memory_space<vmem>> -> memref<128x48xf32, #tpu.memory_space<vmem>>
    %dma_start3A_65 = arith.constant 0 : i32
    %dma_start3A_66 = tpu.memref_slice %arg6[%dma_start3A_58, %dma_start3A_65] : memref<79x128xi32, #tpu.memory_space<vmem>> -> memref<1x128xi32, #tpu.memory_space<vmem>>
    %dma_start3A_67 = tpu.memref_squeeze %dma_start3A_66 : memref<1x128xi32, #tpu.memory_space<vmem>> -> memref<128xi32, #tpu.memory_space<vmem>>
    %dma_start3A_68 = arith.constant 0 : i32
    %dma_start3A_69 = arith.constant 0 : i32
    %dma_start3A_70 = tpu.memref_slice %arg3[%dma_start3A_68, %dma_start3A_69] : memref<10000x48xf32, #tpu.memory_space<hbm>> -> memref<10000x48xf32, #tpu.memory_space<hbm>>
    %dma_start3A_71 = tpu.memref_slice %arg10[%dma_start3A_60] : memref<6x!tpu.dma_semaphore, #tpu.memory_space<semaphore_mem>> -> memref<1x!tpu.dma_semaphore, #tpu.memory_space<semaphore_mem>>
    %dma_start3A_72 = tpu.memref_squeeze %dma_start3A_71 : memref<1x!tpu.dma_semaphore, #tpu.memory_space<semaphore_mem>> -> memref<!tpu.dma_semaphore, #tpu.memory_space<semaphore_mem>>
    tpu.enqueue_indirect_dma source(%dma_start3A_70 : memref<10000x48xf32, #tpu.memory_space<hbm>>) target(%dma_start3A_64 : memref<128x48xf32, #tpu.memory_space<vmem>>) offsets(%dma_start3A_67 : memref<128xi32, #tpu.memory_space<vmem>>) semaphore(%dma_start3A_72 : memref<!tpu.dma_semaphore, #tpu.memory_space<semaphore_mem>>)
    %dma_start3A_73 = arith.constant 1 : i32
    %dma_start3A_74 = arith.constant 1 : i32
    %dma_start3A_75 = arith.constant 1 : i32
    %dma_start3A_76 = arith.constant 0 : i32
    %dma_start3A_77 = arith.constant 0 : i32
    %dma_start3A_78 = tpu.memref_slice %arg8[%dma_start3A_74, %dma_start3A_76, %dma_start3A_77] : memref<6x128x48xf32, #tpu.memory_space<vmem>> -> memref<1x128x48xf32, #tpu.memory_space<vmem>>
    %dma_start3A_79 = tpu.memref_squeeze %dma_start3A_78 : memref<1x128x48xf32, #tpu.memory_space<vmem>> -> memref<128x48xf32, #tpu.memory_space<vmem>>
    %dma_start3A_80 = arith.constant 0 : i32
    %dma_start3A_81 = tpu.memref_slice %arg6[%dma_start3A_73, %dma_start3A_80] : memref<79x128xi32, #tpu.memory_space<vmem>> -> memref<1x128xi32, #tpu.memory_space<vmem>>
    %dma_start3A_82 = tpu.memref_squeeze %dma_start3A_81 : memref<1x128xi32, #tpu.memory_space<vmem>> -> memref<128xi32, #tpu.memory_space<vmem>>
    %dma_start3A_83 = arith.constant 0 : i32
    %dma_start3A_84 = arith.constant 0 : i32
    %dma_start3A_85 = tpu.memref_slice %arg3[%dma_start3A_83, %dma_start3A_84] : memref<10000x48xf32, #tpu.memory_space<hbm>> -> memref<10000x48xf32, #tpu.memory_space<hbm>>
    %dma_start3A_86 = tpu.memref_slice %arg10[%dma_start3A_75] : memref<6x!tpu.dma_semaphore, #tpu.memory_space<semaphore_mem>> -> memref<1x!tpu.dma_semaphore, #tpu.memory_space<semaphore_mem>>
    %dma_start3A_87 = tpu.memref_squeeze %dma_start3A_86 : memref<1x!tpu.dma_semaphore, #tpu.memory_space<semaphore_mem>> -> memref<!tpu.dma_semaphore, #tpu.memory_space<semaphore_mem>>
    tpu.enqueue_indirect_dma source(%dma_start3A_85 : memref<10000x48xf32, #tpu.memory_space<hbm>>) target(%dma_start3A_79 : memref<128x48xf32, #tpu.memory_space<vmem>>) offsets(%dma_start3A_82 : memref<128xi32, #tpu.memory_space<vmem>>) semaphore(%dma_start3A_87 : memref<!tpu.dma_semaphore, #tpu.memory_space<semaphore_mem>>)
    %dma_start3A_88 = arith.constant 2 : i32
    %dma_start3A_89 = arith.constant 2 : i32
    %dma_start3A_90 = arith.constant 2 : i32
    %dma_start3A_91 = arith.constant 0 : i32
    %dma_start3A_92 = arith.constant 0 : i32
    %dma_start3A_93 = tpu.memref_slice %arg8[%dma_start3A_89, %dma_start3A_91, %dma_start3A_92] : memref<6x128x48xf32, #tpu.memory_space<vmem>> -> memref<1x128x48xf32, #tpu.memory_space<vmem>>
    %dma_start3A_94 = tpu.memref_squeeze %dma_start3A_93 : memref<1x128x48xf32, #tpu.memory_space<vmem>> -> memref<128x48xf32, #tpu.memory_space<vmem>>
    %dma_start3A_95 = arith.constant 0 : i32
    %dma_start3A_96 = tpu.memref_slice %arg6[%dma_start3A_88, %dma_start3A_95] : memref<79x128xi32, #tpu.memory_space<vmem>> -> memref<1x128xi32, #tpu.memory_space<vmem>>
    %dma_start3A_97 = tpu.memref_squeeze %dma_start3A_96 : memref<1x128xi32, #tpu.memory_space<vmem>> -> memref<128xi32, #tpu.memory_space<vmem>>
    %dma_start3A_98 = arith.constant 0 : i32
    %dma_start3A_99 = arith.constant 0 : i32
    %dma_start3A_100 = tpu.memref_slice %arg3[%dma_start3A_98, %dma_start3A_99] : memref<10000x48xf32, #tpu.memory_space<hbm>> -> memref<10000x48xf32, #tpu.memory_space<hbm>>
    %dma_start3A_101 = tpu.memref_slice %arg10[%dma_start3A_90] : memref<6x!tpu.dma_semaphore, #tpu.memory_space<semaphore_mem>> -> memref<1x!tpu.dma_semaphore, #tpu.memory_space<semaphore_mem>>
    %dma_start3A_102 = tpu.memref_squeeze %dma_start3A_101 : memref<1x!tpu.dma_semaphore, #tpu.memory_space<semaphore_mem>> -> memref<!tpu.dma_semaphore, #tpu.memory_space<semaphore_mem>>
    tpu.enqueue_indirect_dma source(%dma_start3A_100 : memref<10000x48xf32, #tpu.memory_space<hbm>>) target(%dma_start3A_94 : memref<128x48xf32, #tpu.memory_space<vmem>>) offsets(%dma_start3A_97 : memref<128xi32, #tpu.memory_space<vmem>>) semaphore(%dma_start3A_102 : memref<!tpu.dma_semaphore, #tpu.memory_space<semaphore_mem>>)
    %dma_start3A_103 = arith.constant 3 : i32
    %dma_start3A_104 = arith.constant 3 : i32
    %dma_start3A_105 = arith.constant 3 : i32
    %dma_start3A_106 = arith.constant 0 : i32
    %dma_start3A_107 = arith.constant 0 : i32
    %dma_start3A_108 = tpu.memref_slice %arg8[%dma_start3A_104, %dma_start3A_106, %dma_start3A_107] : memref<6x128x48xf32, #tpu.memory_space<vmem>> -> memref<1x128x48xf32, #tpu.memory_space<vmem>>
    %dma_start3A_109 = tpu.memref_squeeze %dma_start3A_108 : memref<1x128x48xf32, #tpu.memory_space<vmem>> -> memref<128x48xf32, #tpu.memory_space<vmem>>
    %dma_start3A_110 = arith.constant 0 : i32
    %dma_start3A_111 = tpu.memref_slice %arg6[%dma_start3A_103, %dma_start3A_110] : memref<79x128xi32, #tpu.memory_space<vmem>> -> memref<1x128xi32, #tpu.memory_space<vmem>>
    %dma_start3A_112 = tpu.memref_squeeze %dma_start3A_111 : memref<1x128xi32, #tpu.memory_space<vmem>> -> memref<128xi32, #tpu.memory_space<vmem>>
    %dma_start3A_113 = arith.constant 0 : i32
    %dma_start3A_114 = arith.constant 0 : i32
    %dma_start3A_115 = tpu.memref_slice %arg3[%dma_start3A_113, %dma_start3A_114] : memref<10000x48xf32, #tpu.memory_space<hbm>> -> memref<10000x48xf32, #tpu.memory_space<hbm>>
    %dma_start3A_116 = tpu.memref_slice %arg10[%dma_start3A_105] : memref<6x!tpu.dma_semaphore, #tpu.memory_space<semaphore_mem>> -> memref<1x!tpu.dma_semaphore, #tpu.memory_space<semaphore_mem>>
    %dma_start3A_117 = tpu.memref_squeeze %dma_start3A_116 : memref<1x!tpu.dma_semaphore, #tpu.memory_space<semaphore_mem>> -> memref<!tpu.dma_semaphore, #tpu.memory_space<semaphore_mem>>
    tpu.enqueue_indirect_dma source(%dma_start3A_115 : memref<10000x48xf32, #tpu.memory_space<hbm>>) target(%dma_start3A_109 : memref<128x48xf32, #tpu.memory_space<vmem>>) offsets(%dma_start3A_112 : memref<128xi32, #tpu.memory_space<vmem>>) semaphore(%dma_start3A_117 : memref<!tpu.dma_semaphore, #tpu.memory_space<semaphore_mem>>)
    %dma_start3A_118 = arith.constant 4 : i32
    %dma_start3A_119 = arith.constant 4 : i32
    %dma_start3A_120 = arith.constant 4 : i32
    %dma_start3A_121 = arith.constant 0 : i32
    %dma_start3A_122 = arith.constant 0 : i32
    %dma_start3A_123 = tpu.memref_slice %arg8[%dma_start3A_119, %dma_start3A_121, %dma_start3A_122] : memref<6x128x48xf32, #tpu.memory_space<vmem>> -> memref<1x128x48xf32, #tpu.memory_space<vmem>>
    %dma_start3A_124 = tpu.memref_squeeze %dma_start3A_123 : memref<1x128x48xf32, #tpu.memory_space<vmem>> -> memref<128x48xf32, #tpu.memory_space<vmem>>
    %dma_start3A_125 = arith.constant 0 : i32
    %dma_start3A_126 = tpu.memref_slice %arg6[%dma_start3A_118, %dma_start3A_125] : memref<79x128xi32, #tpu.memory_space<vmem>> -> memref<1x128xi32, #tpu.memory_space<vmem>>
    %dma_start3A_127 = tpu.memref_squeeze %dma_start3A_126 : memref<1x128xi32, #tpu.memory_space<vmem>> -> memref<128xi32, #tpu.memory_space<vmem>>
    %dma_start3A_128 = arith.constant 0 : i32
    %dma_start3A_129 = arith.constant 0 : i32
    %dma_start3A_130 = tpu.memref_slice %arg3[%dma_start3A_128, %dma_start3A_129] : memref<10000x48xf32, #tpu.memory_space<hbm>> -> memref<10000x48xf32, #tpu.memory_space<hbm>>
    %dma_start3A_131 = tpu.memref_slice %arg10[%dma_start3A_120] : memref<6x!tpu.dma_semaphore, #tpu.memory_space<semaphore_mem>> -> memref<1x!tpu.dma_semaphore, #tpu.memory_space<semaphore_mem>>
    %dma_start3A_132 = tpu.memref_squeeze %dma_start3A_131 : memref<1x!tpu.dma_semaphore, #tpu.memory_space<semaphore_mem>> -> memref<!tpu.dma_semaphore, #tpu.memory_space<semaphore_mem>>
    tpu.enqueue_indirect_dma source(%dma_start3A_130 : memref<10000x48xf32, #tpu.memory_space<hbm>>) target(%dma_start3A_124 : memref<128x48xf32, #tpu.memory_space<vmem>>) offsets(%dma_start3A_127 : memref<128xi32, #tpu.memory_space<vmem>>) semaphore(%dma_start3A_132 : memref<!tpu.dma_semaphore, #tpu.memory_space<semaphore_mem>>)
    %dma_start3A_133 = arith.constant 5 : i32
    %dma_start3A_134 = arith.constant 5 : i32
    %dma_start3A_135 = arith.constant 5 : i32
    %dma_start3A_136 = arith.constant 0 : i32
    %dma_start3A_137 = arith.constant 0 : i32
    %dma_start3A_138 = tpu.memref_slice %arg8[%dma_start3A_134, %dma_start3A_136, %dma_start3A_137] : memref<6x128x48xf32, #tpu.memory_space<vmem>> -> memref<1x128x48xf32, #tpu.memory_space<vmem>>
    %dma_start3A_139 = tpu.memref_squeeze %dma_start3A_138 : memref<1x128x48xf32, #tpu.memory_space<vmem>> -> memref<128x48xf32, #tpu.memory_space<vmem>>
    %dma_start3A_140 = arith.constant 0 : i32
    %dma_start3A_141 = tpu.memref_slice %arg6[%dma_start3A_133, %dma_start3A_140] : memref<79x128xi32, #tpu.memory_space<vmem>> -> memref<1x128xi32, #tpu.memory_space<vmem>>
    %dma_start3A_142 = tpu.memref_squeeze %dma_start3A_141 : memref<1x128xi32, #tpu.memory_space<vmem>> -> memref<128xi32, #tpu.memory_space<vmem>>
    %dma_start3A_143 = arith.constant 0 : i32
    %dma_start3A_144 = arith.constant 0 : i32
    %dma_start3A_145 = tpu.memref_slice %arg3[%dma_start3A_143, %dma_start3A_144] : memref<10000x48xf32, #tpu.memory_space<hbm>> -> memref<10000x48xf32, #tpu.memory_space<hbm>>
    %dma_start3A_146 = tpu.memref_slice %arg10[%dma_start3A_135] : memref<6x!tpu.dma_semaphore, #tpu.memory_space<semaphore_mem>> -> memref<1x!tpu.dma_semaphore, #tpu.memory_space<semaphore_mem>>
    %dma_start3A_147 = tpu.memref_squeeze %dma_start3A_146 : memref<1x!tpu.dma_semaphore, #tpu.memory_space<semaphore_mem>> -> memref<!tpu.dma_semaphore, #tpu.memory_space<semaphore_mem>>
    tpu.enqueue_indirect_dma source(%dma_start3A_145 : memref<10000x48xf32, #tpu.memory_space<hbm>>) target(%dma_start3A_139 : memref<128x48xf32, #tpu.memory_space<vmem>>) offsets(%dma_start3A_142 : memref<128xi32, #tpu.memory_space<vmem>>) semaphore(%dma_start3A_147 : memref<!tpu.dma_semaphore, #tpu.memory_space<semaphore_mem>>)
    %scan3A = arith.constant 0 : i32
    %scan3A_148 = arith.constant 0 : i32
    %scan3A_149 = arith.constant 14 : i32
    %scan3A_150 = arith.addi %scan3A_148, %scan3A_149 : i32
    %scan3A_151 = arith.constant 1 : i32
    scf.for %scan3A_158 = %scan3A_148 to %scan3A_150 step %scan3A_151  : i32 {
      %mul3A_159 = arith.constant 6 : i32
      %mul3A_160 = arith.muli %scan3A_158, %mul3A_159 : i32
      %add3A_161 = arith.constant 0 : i32
      %add3A_162 = arith.addi %mul3A_160, %add3A_161 : i32
      %lt3A = arith.cmpi slt, %add3A_162, %select_n3A : i32
      %convert_element_type3A = arith.extui %lt3A : i1 to i32
      %cond3A = arith.constant 0 : i32
      %cond3A_163 = arith.cmpi ne, %convert_element_type3A, %cond3A : i32
      scf.if %cond3A_163 {
        %dma_wait3A_204 = arith.constant 0 : i32
        %dma_wait3A_205 = arith.constant 0 : i32
        %dma_wait3A_206 = arith.constant 0 : i32
        %dma_wait3A_207 = arith.constant 0 : i32
        %dma_wait3A_208 = tpu.memref_slice %arg8[%dma_wait3A_204, %dma_wait3A_206, %dma_wait3A_207] : memref<6x128x48xf32, #tpu.memory_space<vmem>> -> memref<1x128x48xf32, #tpu.memory_space<vmem>>
        %dma_wait3A_209 = tpu.memref_squeeze %dma_wait3A_208 : memref<1x128x48xf32, #tpu.memory_space<vmem>> -> memref<128x48xf32, #tpu.memory_space<vmem>>
        %dma_wait3A_210 = arith.constant 0 : i32
        %dma_wait3A_211 = tpu.memref_slice %arg6[%add3A_162, %dma_wait3A_210] : memref<79x128xi32, #tpu.memory_space<vmem>> -> memref<1x128xi32, #tpu.memory_space<vmem>>
        %dma_wait3A_212 = tpu.memref_squeeze %dma_wait3A_211 : memref<1x128xi32, #tpu.memory_space<vmem>> -> memref<128xi32, #tpu.memory_space<vmem>>
        %dma_wait3A_213 = arith.constant 0 : i32
        %dma_wait3A_214 = arith.constant 0 : i32
        %dma_wait3A_215 = tpu.memref_slice %arg3[%dma_wait3A_213, %dma_wait3A_214] : memref<10000x48xf32, #tpu.memory_space<hbm>> -> memref<10000x48xf32, #tpu.memory_space<hbm>>
        %dma_wait3A_216 = tpu.memref_slice %arg10[%dma_wait3A_205] : memref<6x!tpu.dma_semaphore, #tpu.memory_space<semaphore_mem>> -> memref<1x!tpu.dma_semaphore, #tpu.memory_space<semaphore_mem>>
        %dma_wait3A_217 = tpu.memref_squeeze %dma_wait3A_216 : memref<1x!tpu.dma_semaphore, #tpu.memory_space<semaphore_mem>> -> memref<!tpu.dma_semaphore, #tpu.memory_space<semaphore_mem>>
        tpu.wait_indirect_dma semaphore(%dma_wait3A_217 : memref<!tpu.dma_semaphore, #tpu.memory_space<semaphore_mem>>) src(%dma_wait3A_215 : memref<10000x48xf32, #tpu.memory_space<hbm>>) dst(%dma_wait3A_209 : memref<128x48xf32, #tpu.memory_space<vmem>>)
        %run_scoped3A = arith.constant 0 : i32
        "tpu.region"() ({
          %run_scoped3A_224 = tpu.sem_alloc : memref<!tpu.dma_semaphore, #tpu.memory_space<semaphore_mem>>
          %dma_start3A_225 = arith.constant 0 : i32
          %dma_start3A_226 = arith.constant 0 : i32
          %dma_start3A_227 = tpu.memref_slice %arg8[%run_scoped3A, %dma_start3A_225, %dma_start3A_226] : memref<6x128x48xf32, #tpu.memory_space<vmem>> -> memref<1x128x48xf32, #tpu.memory_space<vmem>>
          %dma_start3A_228 = tpu.memref_squeeze %dma_start3A_227 : memref<1x128x48xf32, #tpu.memory_space<vmem>> -> memref<128x48xf32, #tpu.memory_space<vmem>>
          %dma_start3A_229 = arith.constant 0 : i32
          %dma_start3A_230 = tpu.memref_slice %arg7[%add3A_162, %dma_start3A_229] : memref<79x128xi32, #tpu.memory_space<vmem>> -> memref<1x128xi32, #tpu.memory_space<vmem>>
          %dma_start3A_231 = tpu.memref_squeeze %dma_start3A_230 : memref<1x128xi32, #tpu.memory_space<vmem>> -> memref<128xi32, #tpu.memory_space<vmem>>
          %dma_start3A_232 = arith.constant 0 : i32
          %dma_start3A_233 = arith.constant 0 : i32
          %dma_start3A_234 = tpu.memref_slice %arg9[%dma_start3A_232, %dma_start3A_233] : memref<10000x48xf32, #tpu.memory_space<vmem_shared>> -> memref<10000x48xf32, #tpu.memory_space<vmem_shared>>
          tpu.enqueue_indirect_dma source(%dma_start3A_228 : memref<128x48xf32, #tpu.memory_space<vmem>>) target(%dma_start3A_234 : memref<10000x48xf32, #tpu.memory_space<vmem_shared>>) offsets(%dma_start3A_231 : memref<128xi32, #tpu.memory_space<vmem>>) semaphore(%run_scoped3A_224 : memref<!tpu.dma_semaphore, #tpu.memory_space<semaphore_mem>>) {add = true}
          %dma_wait3A_235 = arith.constant 0 : i32
          %dma_wait3A_236 = arith.constant 0 : i32
          %dma_wait3A_237 = tpu.memref_slice %arg8[%run_scoped3A, %dma_wait3A_235, %dma_wait3A_236] : memref<6x128x48xf32, #tpu.memory_space<vmem>> -> memref<1x128x48xf32, #tpu.memory_space<vmem>>
          %dma_wait3A_238 = tpu.memref_squeeze %dma_wait3A_237 : memref<1x128x48xf32, #tpu.memory_space<vmem>> -> memref<128x48xf32, #tpu.memory_space<vmem>>
          %dma_wait3A_239 = arith.constant 0 : i32
          %dma_wait3A_240 = tpu.memref_slice %arg7[%add3A_162, %dma_wait3A_239] : memref<79x128xi32, #tpu.memory_space<vmem>> -> memref<1x128xi32, #tpu.memory_space<vmem>>
          %dma_wait3A_241 = tpu.memref_squeeze %dma_wait3A_240 : memref<1x128xi32, #tpu.memory_space<vmem>> -> memref<128xi32, #tpu.memory_space<vmem>>
          %dma_wait3A_242 = arith.constant 0 : i32
          %dma_wait3A_243 = arith.constant 0 : i32
          %dma_wait3A_244 = tpu.memref_slice %arg9[%dma_wait3A_242, %dma_wait3A_243] : memref<10000x48xf32, #tpu.memory_space<vmem_shared>> -> memref<10000x48xf32, #tpu.memory_space<vmem_shared>>
          tpu.wait_indirect_dma semaphore(%run_scoped3A_224 : memref<!tpu.dma_semaphore, #tpu.memory_space<semaphore_mem>>) src(%dma_wait3A_238 : memref<128x48xf32, #tpu.memory_space<vmem>>) dst(%dma_wait3A_244 : memref<10000x48xf32, #tpu.memory_space<vmem_shared>>)
          tpu.yield
        }) : () -> ()
        %add3A_218 = arith.constant 6 : i32
        %add3A_219 = arith.addi %add3A_162, %add3A_218 : i32
        %lt3A_220 = arith.cmpi slt, %add3A_219, %select_n3A : i32
        %convert_element_type3A_221 = arith.extui %lt3A_220 : i1 to i32
        %cond3A_222 = arith.constant 0 : i32
        %cond3A_223 = arith.cmpi ne, %convert_element_type3A_221, %cond3A_222 : i32
        scf.if %cond3A_223 {
          %add3A_224 = arith.constant 6 : i32
          %add3A_225 = arith.addi %add3A_162, %add3A_224 : i32
          %dma_start3A_226 = arith.constant 0 : i32
          %dma_start3A_227 = arith.constant 0 : i32
          %dma_start3A_228 = arith.constant 0 : i32
          %dma_start3A_229 = arith.constant 0 : i32
          %dma_start3A_230 = tpu.memref_slice %arg8[%dma_start3A_226, %dma_start3A_228, %dma_start3A_229] : memref<6x128x48xf32, #tpu.memory_space<vmem>> -> memref<1x128x48xf32, #tpu.memory_space<vmem>>
          %dma_start3A_231 = tpu.memref_squeeze %dma_start3A_230 : memref<1x128x48xf32, #tpu.memory_space<vmem>> -> memref<128x48xf32, #tpu.memory_space<vmem>>
          %dma_start3A_232 = arith.constant 0 : i32
          %dma_start3A_233 = tpu.memref_slice %arg6[%add3A_225, %dma_start3A_232] : memref<79x128xi32, #tpu.memory_space<vmem>> -> memref<1x128xi32, #tpu.memory_space<vmem>>
          %dma_start3A_234 = tpu.memref_squeeze %dma_start3A_233 : memref<1x128xi32, #tpu.memory_space<vmem>> -> memref<128xi32, #tpu.memory_space<vmem>>
          %dma_start3A_235 = arith.constant 0 : i32
          %dma_start3A_236 = arith.constant 0 : i32
          %dma_start3A_237 = tpu.memref_slice %arg3[%dma_start3A_235, %dma_start3A_236] : memref<10000x48xf32, #tpu.memory_space<hbm>> -> memref<10000x48xf32, #tpu.memory_space<hbm>>
          %dma_start3A_238 = tpu.memref_slice %arg10[%dma_start3A_227] : memref<6x!tpu.dma_semaphore, #tpu.memory_space<semaphore_mem>> -> memref<1x!tpu.dma_semaphore, #tpu.memory_space<semaphore_mem>>
          %dma_start3A_239 = tpu.memref_squeeze %dma_start3A_238 : memref<1x!tpu.dma_semaphore, #tpu.memory_space<semaphore_mem>> -> memref<!tpu.dma_semaphore, #tpu.memory_space<semaphore_mem>>
          tpu.enqueue_indirect_dma source(%dma_start3A_237 : memref<10000x48xf32, #tpu.memory_space<hbm>>) target(%dma_start3A_231 : memref<128x48xf32, #tpu.memory_space<vmem>>) offsets(%dma_start3A_234 : memref<128xi32, #tpu.memory_space<vmem>>) semaphore(%dma_start3A_239 : memref<!tpu.dma_semaphore, #tpu.memory_space<semaphore_mem>>)
        } else {
        }
      } else {
      }
      %mul3A_164 = arith.constant 6 : i32
      %mul3A_165 = arith.muli %scan3A_158, %mul3A_164 : i32
      %add3A_166 = arith.constant 1 : i32
      %add3A_167 = arith.addi %mul3A_165, %add3A_166 : i32
      %lt3A_168 = arith.cmpi slt, %add3A_167, %select_n3A : i32
      %convert_element_type3A_169 = arith.extui %lt3A_168 : i1 to i32
      %cond3A_170 = arith.constant 0 : i32
      %cond3A_171 = arith.cmpi ne, %convert_element_type3A_169, %cond3A_170 : i32
      scf.if %cond3A_171 {
        %dma_wait3A_204 = arith.constant 1 : i32
        %dma_wait3A_205 = arith.constant 1 : i32
        %dma_wait3A_206 = arith.constant 0 : i32
        %dma_wait3A_207 = arith.constant 0 : i32
        %dma_wait3A_208 = tpu.memref_slice %arg8[%dma_wait3A_204, %dma_wait3A_206, %dma_wait3A_207] : memref<6x128x48xf32, #tpu.memory_space<vmem>> -> memref<1x128x48xf32, #tpu.memory_space<vmem>>
        %dma_wait3A_209 = tpu.memref_squeeze %dma_wait3A_208 : memref<1x128x48xf32, #tpu.memory_space<vmem>> -> memref<128x48xf32, #tpu.memory_space<vmem>>
        %dma_wait3A_210 = arith.constant 0 : i32
        %dma_wait3A_211 = tpu.memref_slice %arg6[%add3A_167, %dma_wait3A_210] : memref<79x128xi32, #tpu.memory_space<vmem>> -> memref<1x128xi32, #tpu.memory_space<vmem>>
        %dma_wait3A_212 = tpu.memref_squeeze %dma_wait3A_211 : memref<1x128xi32, #tpu.memory_space<vmem>> -> memref<128xi32, #tpu.memory_space<vmem>>
        %dma_wait3A_213 = arith.constant 0 : i32
        %dma_wait3A_214 = arith.constant 0 : i32
        %dma_wait3A_215 = tpu.memref_slice %arg3[%dma_wait3A_213, %dma_wait3A_214] : memref<10000x48xf32, #tpu.memory_space<hbm>> -> memref<10000x48xf32, #tpu.memory_space<hbm>>
        %dma_wait3A_216 = tpu.memref_slice %arg10[%dma_wait3A_205] : memref<6x!tpu.dma_semaphore, #tpu.memory_space<semaphore_mem>> -> memref<1x!tpu.dma_semaphore, #tpu.memory_space<semaphore_mem>>
        %dma_wait3A_217 = tpu.memref_squeeze %dma_wait3A_216 : memref<1x!tpu.dma_semaphore, #tpu.memory_space<semaphore_mem>> -> memref<!tpu.dma_semaphore, #tpu.memory_space<semaphore_mem>>
        tpu.wait_indirect_dma semaphore(%dma_wait3A_217 : memref<!tpu.dma_semaphore, #tpu.memory_space<semaphore_mem>>) src(%dma_wait3A_215 : memref<10000x48xf32, #tpu.memory_space<hbm>>) dst(%dma_wait3A_209 : memref<128x48xf32, #tpu.memory_space<vmem>>)
        %run_scoped3A = arith.constant 1 : i32
        "tpu.region"() ({
          %run_scoped3A_224 = tpu.sem_alloc : memref<!tpu.dma_semaphore, #tpu.memory_space<semaphore_mem>>
          %dma_start3A_225 = arith.constant 0 : i32
          %dma_start3A_226 = arith.constant 0 : i32
          %dma_start3A_227 = tpu.memref_slice %arg8[%run_scoped3A, %dma_start3A_225, %dma_start3A_226] : memref<6x128x48xf32, #tpu.memory_space<vmem>> -> memref<1x128x48xf32, #tpu.memory_space<vmem>>
          %dma_start3A_228 = tpu.memref_squeeze %dma_start3A_227 : memref<1x128x48xf32, #tpu.memory_space<vmem>> -> memref<128x48xf32, #tpu.memory_space<vmem>>
          %dma_start3A_229 = arith.constant 0 : i32
          %dma_start3A_230 = tpu.memref_slice %arg7[%add3A_167, %dma_start3A_229] : memref<79x128xi32, #tpu.memory_space<vmem>> -> memref<1x128xi32, #tpu.memory_space<vmem>>
          %dma_start3A_231 = tpu.memref_squeeze %dma_start3A_230 : memref<1x128xi32, #tpu.memory_space<vmem>> -> memref<128xi32, #tpu.memory_space<vmem>>
          %dma_start3A_232 = arith.constant 0 : i32
          %dma_start3A_233 = arith.constant 0 : i32
          %dma_start3A_234 = tpu.memref_slice %arg9[%dma_start3A_232, %dma_start3A_233] : memref<10000x48xf32, #tpu.memory_space<vmem_shared>> -> memref<10000x48xf32, #tpu.memory_space<vmem_shared>>
          tpu.enqueue_indirect_dma source(%dma_start3A_228 : memref<128x48xf32, #tpu.memory_space<vmem>>) target(%dma_start3A_234 : memref<10000x48xf32, #tpu.memory_space<vmem_shared>>) offsets(%dma_start3A_231 : memref<128xi32, #tpu.memory_space<vmem>>) semaphore(%run_scoped3A_224 : memref<!tpu.dma_semaphore, #tpu.memory_space<semaphore_mem>>) {add = true}
          %dma_wait3A_235 = arith.constant 0 : i32
          %dma_wait3A_236 = arith.constant 0 : i32
          %dma_wait3A_237 = tpu.memref_slice %arg8[%run_scoped3A, %dma_wait3A_235, %dma_wait3A_236] : memref<6x128x48xf32, #tpu.memory_space<vmem>> -> memref<1x128x48xf32, #tpu.memory_space<vmem>>
          %dma_wait3A_238 = tpu.memref_squeeze %dma_wait3A_237 : memref<1x128x48xf32, #tpu.memory_space<vmem>> -> memref<128x48xf32, #tpu.memory_space<vmem>>
          %dma_wait3A_239 = arith.constant 0 : i32
          %dma_wait3A_240 = tpu.memref_slice %arg7[%add3A_167, %dma_wait3A_239] : memref<79x128xi32, #tpu.memory_space<vmem>> -> memref<1x128xi32, #tpu.memory_space<vmem>>
          %dma_wait3A_241 = tpu.memref_squeeze %dma_wait3A_240 : memref<1x128xi32, #tpu.memory_space<vmem>> -> memref<128xi32, #tpu.memory_space<vmem>>
          %dma_wait3A_242 = arith.constant 0 : i32
          %dma_wait3A_243 = arith.constant 0 : i32
          %dma_wait3A_244 = tpu.memref_slice %arg9[%dma_wait3A_242, %dma_wait3A_243] : memref<10000x48xf32, #tpu.memory_space<vmem_shared>> -> memref<10000x48xf32, #tpu.memory_space<vmem_shared>>
          tpu.wait_indirect_dma semaphore(%run_scoped3A_224 : memref<!tpu.dma_semaphore, #tpu.memory_space<semaphore_mem>>) src(%dma_wait3A_238 : memref<128x48xf32, #tpu.memory_space<vmem>>) dst(%dma_wait3A_244 : memref<10000x48xf32, #tpu.memory_space<vmem_shared>>)
          tpu.yield
        }) : () -> ()
        %add3A_218 = arith.constant 6 : i32
        %add3A_219 = arith.addi %add3A_167, %add3A_218 : i32
        %lt3A_220 = arith.cmpi slt, %add3A_219, %select_n3A : i32
        %convert_element_type3A_221 = arith.extui %lt3A_220 : i1 to i32
        %cond3A_222 = arith.constant 0 : i32
        %cond3A_223 = arith.cmpi ne, %convert_element_type3A_221, %cond3A_222 : i32
        scf.if %cond3A_223 {
          %add3A_224 = arith.constant 6 : i32
          %add3A_225 = arith.addi %add3A_167, %add3A_224 : i32
          %dma_start3A_226 = arith.constant 1 : i32
          %dma_start3A_227 = arith.constant 1 : i32
          %dma_start3A_228 = arith.constant 0 : i32
          %dma_start3A_229 = arith.constant 0 : i32
          %dma_start3A_230 = tpu.memref_slice %arg8[%dma_start3A_226, %dma_start3A_228, %dma_start3A_229] : memref<6x128x48xf32, #tpu.memory_space<vmem>> -> memref<1x128x48xf32, #tpu.memory_space<vmem>>
          %dma_start3A_231 = tpu.memref_squeeze %dma_start3A_230 : memref<1x128x48xf32, #tpu.memory_space<vmem>> -> memref<128x48xf32, #tpu.memory_space<vmem>>
          %dma_start3A_232 = arith.constant 0 : i32
          %dma_start3A_233 = tpu.memref_slice %arg6[%add3A_225, %dma_start3A_232] : memref<79x128xi32, #tpu.memory_space<vmem>> -> memref<1x128xi32, #tpu.memory_space<vmem>>
          %dma_start3A_234 = tpu.memref_squeeze %dma_start3A_233 : memref<1x128xi32, #tpu.memory_space<vmem>> -> memref<128xi32, #tpu.memory_space<vmem>>
          %dma_start3A_235 = arith.constant 0 : i32
          %dma_start3A_236 = arith.constant 0 : i32
          %dma_start3A_237 = tpu.memref_slice %arg3[%dma_start3A_235, %dma_start3A_236] : memref<10000x48xf32, #tpu.memory_space<hbm>> -> memref<10000x48xf32, #tpu.memory_space<hbm>>
          %dma_start3A_238 = tpu.memref_slice %arg10[%dma_start3A_227] : memref<6x!tpu.dma_semaphore, #tpu.memory_space<semaphore_mem>> -> memref<1x!tpu.dma_semaphore, #tpu.memory_space<semaphore_mem>>
          %dma_start3A_239 = tpu.memref_squeeze %dma_start3A_238 : memref<1x!tpu.dma_semaphore, #tpu.memory_space<semaphore_mem>> -> memref<!tpu.dma_semaphore, #tpu.memory_space<semaphore_mem>>
          tpu.enqueue_indirect_dma source(%dma_start3A_237 : memref<10000x48xf32, #tpu.memory_space<hbm>>) target(%dma_start3A_231 : memref<128x48xf32, #tpu.memory_space<vmem>>) offsets(%dma_start3A_234 : memref<128xi32, #tpu.memory_space<vmem>>) semaphore(%dma_start3A_239 : memref<!tpu.dma_semaphore, #tpu.memory_space<semaphore_mem>>)
        } else {
        }
      } else {
      }
      %mul3A_172 = arith.constant 6 : i32
      %mul3A_173 = arith.muli %scan3A_158, %mul3A_172 : i32
      %add3A_174 = arith.constant 2 : i32
      %add3A_175 = arith.addi %mul3A_173, %add3A_174 : i32
      %lt3A_176 = arith.cmpi slt, %add3A_175, %select_n3A : i32
      %convert_element_type3A_177 = arith.extui %lt3A_176 : i1 to i32
      %cond3A_178 = arith.constant 0 : i32
      %cond3A_179 = arith.cmpi ne, %convert_element_type3A_177, %cond3A_178 : i32
      scf.if %cond3A_179 {
        %dma_wait3A_204 = arith.constant 2 : i32
        %dma_wait3A_205 = arith.constant 2 : i32
        %dma_wait3A_206 = arith.constant 0 : i32
        %dma_wait3A_207 = arith.constant 0 : i32
        %dma_wait3A_208 = tpu.memref_slice %arg8[%dma_wait3A_204, %dma_wait3A_206, %dma_wait3A_207] : memref<6x128x48xf32, #tpu.memory_space<vmem>> -> memref<1x128x48xf32, #tpu.memory_space<vmem>>
        %dma_wait3A_209 = tpu.memref_squeeze %dma_wait3A_208 : memref<1x128x48xf32, #tpu.memory_space<vmem>> -> memref<128x48xf32, #tpu.memory_space<vmem>>
        %dma_wait3A_210 = arith.constant 0 : i32
        %dma_wait3A_211 = tpu.memref_slice %arg6[%add3A_175, %dma_wait3A_210] : memref<79x128xi32, #tpu.memory_space<vmem>> -> memref<1x128xi32, #tpu.memory_space<vmem>>
        %dma_wait3A_212 = tpu.memref_squeeze %dma_wait3A_211 : memref<1x128xi32, #tpu.memory_space<vmem>> -> memref<128xi32, #tpu.memory_space<vmem>>
        %dma_wait3A_213 = arith.constant 0 : i32
        %dma_wait3A_214 = arith.constant 0 : i32
        %dma_wait3A_215 = tpu.memref_slice %arg3[%dma_wait3A_213, %dma_wait3A_214] : memref<10000x48xf32, #tpu.memory_space<hbm>> -> memref<10000x48xf32, #tpu.memory_space<hbm>>
        %dma_wait3A_216 = tpu.memref_slice %arg10[%dma_wait3A_205] : memref<6x!tpu.dma_semaphore, #tpu.memory_space<semaphore_mem>> -> memref<1x!tpu.dma_semaphore, #tpu.memory_space<semaphore_mem>>
        %dma_wait3A_217 = tpu.memref_squeeze %dma_wait3A_216 : memref<1x!tpu.dma_semaphore, #tpu.memory_space<semaphore_mem>> -> memref<!tpu.dma_semaphore, #tpu.memory_space<semaphore_mem>>
        tpu.wait_indirect_dma semaphore(%dma_wait3A_217 : memref<!tpu.dma_semaphore, #tpu.memory_space<semaphore_mem>>) src(%dma_wait3A_215 : memref<10000x48xf32, #tpu.memory_space<hbm>>) dst(%dma_wait3A_209 : memref<128x48xf32, #tpu.memory_space<vmem>>)
        %run_scoped3A = arith.constant 2 : i32
        "tpu.region"() ({
          %run_scoped3A_224 = tpu.sem_alloc : memref<!tpu.dma_semaphore, #tpu.memory_space<semaphore_mem>>
          %dma_start3A_225 = arith.constant 0 : i32
          %dma_start3A_226 = arith.constant 0 : i32
          %dma_start3A_227 = tpu.memref_slice %arg8[%run_scoped3A, %dma_start3A_225, %dma_start3A_226] : memref<6x128x48xf32, #tpu.memory_space<vmem>> -> memref<1x128x48xf32, #tpu.memory_space<vmem>>
          %dma_start3A_228 = tpu.memref_squeeze %dma_start3A_227 : memref<1x128x48xf32, #tpu.memory_space<vmem>> -> memref<128x48xf32, #tpu.memory_space<vmem>>
          %dma_start3A_229 = arith.constant 0 : i32
          %dma_start3A_230 = tpu.memref_slice %arg7[%add3A_175, %dma_start3A_229] : memref<79x128xi32, #tpu.memory_space<vmem>> -> memref<1x128xi32, #tpu.memory_space<vmem>>
          %dma_start3A_231 = tpu.memref_squeeze %dma_start3A_230 : memref<1x128xi32, #tpu.memory_space<vmem>> -> memref<128xi32, #tpu.memory_space<vmem>>
          %dma_start3A_232 = arith.constant 0 : i32
          %dma_start3A_233 = arith.constant 0 : i32
          %dma_start3A_234 = tpu.memref_slice %arg9[%dma_start3A_232, %dma_start3A_233] : memref<10000x48xf32, #tpu.memory_space<vmem_shared>> -> memref<10000x48xf32, #tpu.memory_space<vmem_shared>>
          tpu.enqueue_indirect_dma source(%dma_start3A_228 : memref<128x48xf32, #tpu.memory_space<vmem>>) target(%dma_start3A_234 : memref<10000x48xf32, #tpu.memory_space<vmem_shared>>) offsets(%dma_start3A_231 : memref<128xi32, #tpu.memory_space<vmem>>) semaphore(%run_scoped3A_224 : memref<!tpu.dma_semaphore, #tpu.memory_space<semaphore_mem>>) {add = true}
          %dma_wait3A_235 = arith.constant 0 : i32
          %dma_wait3A_236 = arith.constant 0 : i32
          %dma_wait3A_237 = tpu.memref_slice %arg8[%run_scoped3A, %dma_wait3A_235, %dma_wait3A_236] : memref<6x128x48xf32, #tpu.memory_space<vmem>> -> memref<1x128x48xf32, #tpu.memory_space<vmem>>
          %dma_wait3A_238 = tpu.memref_squeeze %dma_wait3A_237 : memref<1x128x48xf32, #tpu.memory_space<vmem>> -> memref<128x48xf32, #tpu.memory_space<vmem>>
          %dma_wait3A_239 = arith.constant 0 : i32
          %dma_wait3A_240 = tpu.memref_slice %arg7[%add3A_175, %dma_wait3A_239] : memref<79x128xi32, #tpu.memory_space<vmem>> -> memref<1x128xi32, #tpu.memory_space<vmem>>
          %dma_wait3A_241 = tpu.memref_squeeze %dma_wait3A_240 : memref<1x128xi32, #tpu.memory_space<vmem>> -> memref<128xi32, #tpu.memory_space<vmem>>
          %dma_wait3A_242 = arith.constant 0 : i32
          %dma_wait3A_243 = arith.constant 0 : i32
          %dma_wait3A_244 = tpu.memref_slice %arg9[%dma_wait3A_242, %dma_wait3A_243] : memref<10000x48xf32, #tpu.memory_space<vmem_shared>> -> memref<10000x48xf32, #tpu.memory_space<vmem_shared>>
          tpu.wait_indirect_dma semaphore(%run_scoped3A_224 : memref<!tpu.dma_semaphore, #tpu.memory_space<semaphore_mem>>) src(%dma_wait3A_238 : memref<128x48xf32, #tpu.memory_space<vmem>>) dst(%dma_wait3A_244 : memref<10000x48xf32, #tpu.memory_space<vmem_shared>>)
          tpu.yield
        }) : () -> ()
        %add3A_218 = arith.constant 6 : i32
        %add3A_219 = arith.addi %add3A_175, %add3A_218 : i32
        %lt3A_220 = arith.cmpi slt, %add3A_219, %select_n3A : i32
        %convert_element_type3A_221 = arith.extui %lt3A_220 : i1 to i32
        %cond3A_222 = arith.constant 0 : i32
        %cond3A_223 = arith.cmpi ne, %convert_element_type3A_221, %cond3A_222 : i32
        scf.if %cond3A_223 {
          %add3A_224 = arith.constant 6 : i32
          %add3A_225 = arith.addi %add3A_175, %add3A_224 : i32
          %dma_start3A_226 = arith.constant 2 : i32
          %dma_start3A_227 = arith.constant 2 : i32
          %dma_start3A_228 = arith.constant 0 : i32
          %dma_start3A_229 = arith.constant 0 : i32
          %dma_start3A_230 = tpu.memref_slice %arg8[%dma_start3A_226, %dma_start3A_228, %dma_start3A_229] : memref<6x128x48xf32, #tpu.memory_space<vmem>> -> memref<1x128x48xf32, #tpu.memory_space<vmem>>
          %dma_start3A_231 = tpu.memref_squeeze %dma_start3A_230 : memref<1x128x48xf32, #tpu.memory_space<vmem>> -> memref<128x48xf32, #tpu.memory_space<vmem>>
          %dma_start3A_232 = arith.constant 0 : i32
          %dma_start3A_233 = tpu.memref_slice %arg6[%add3A_225, %dma_start3A_232] : memref<79x128xi32, #tpu.memory_space<vmem>> -> memref<1x128xi32, #tpu.memory_space<vmem>>
          %dma_start3A_234 = tpu.memref_squeeze %dma_start3A_233 : memref<1x128xi32, #tpu.memory_space<vmem>> -> memref<128xi32, #tpu.memory_space<vmem>>
          %dma_start3A_235 = arith.constant 0 : i32
          %dma_start3A_236 = arith.constant 0 : i32
          %dma_start3A_237 = tpu.memref_slice %arg3[%dma_start3A_235, %dma_start3A_236] : memref<10000x48xf32, #tpu.memory_space<hbm>> -> memref<10000x48xf32, #tpu.memory_space<hbm>>
          %dma_start3A_238 = tpu.memref_slice %arg10[%dma_start3A_227] : memref<6x!tpu.dma_semaphore, #tpu.memory_space<semaphore_mem>> -> memref<1x!tpu.dma_semaphore, #tpu.memory_space<semaphore_mem>>
          %dma_start3A_239 = tpu.memref_squeeze %dma_start3A_238 : memref<1x!tpu.dma_semaphore, #tpu.memory_space<semaphore_mem>> -> memref<!tpu.dma_semaphore, #tpu.memory_space<semaphore_mem>>
          tpu.enqueue_indirect_dma source(%dma_start3A_237 : memref<10000x48xf32, #tpu.memory_space<hbm>>) target(%dma_start3A_231 : memref<128x48xf32, #tpu.memory_space<vmem>>) offsets(%dma_start3A_234 : memref<128xi32, #tpu.memory_space<vmem>>) semaphore(%dma_start3A_239 : memref<!tpu.dma_semaphore, #tpu.memory_space<semaphore_mem>>)
        } else {
        }
      } else {
      }
      %mul3A_180 = arith.constant 6 : i32
      %mul3A_181 = arith.muli %scan3A_158, %mul3A_180 : i32
      %add3A_182 = arith.constant 3 : i32
      %add3A_183 = arith.addi %mul3A_181, %add3A_182 : i32
      %lt3A_184 = arith.cmpi slt, %add3A_183, %select_n3A : i32
      %convert_element_type3A_185 = arith.extui %lt3A_184 : i1 to i32
      %cond3A_186 = arith.constant 0 : i32
      %cond3A_187 = arith.cmpi ne, %convert_element_type3A_185, %cond3A_186 : i32
      scf.if %cond3A_187 {
        %dma_wait3A_204 = arith.constant 3 : i32
        %dma_wait3A_205 = arith.constant 3 : i32
        %dma_wait3A_206 = arith.constant 0 : i32
        %dma_wait3A_207 = arith.constant 0 : i32
        %dma_wait3A_208 = tpu.memref_slice %arg8[%dma_wait3A_204, %dma_wait3A_206, %dma_wait3A_207] : memref<6x128x48xf32, #tpu.memory_space<vmem>> -> memref<1x128x48xf32, #tpu.memory_space<vmem>>
        %dma_wait3A_209 = tpu.memref_squeeze %dma_wait3A_208 : memref<1x128x48xf32, #tpu.memory_space<vmem>> -> memref<128x48xf32, #tpu.memory_space<vmem>>
        %dma_wait3A_210 = arith.constant 0 : i32
        %dma_wait3A_211 = tpu.memref_slice %arg6[%add3A_183, %dma_wait3A_210] : memref<79x128xi32, #tpu.memory_space<vmem>> -> memref<1x128xi32, #tpu.memory_space<vmem>>
        %dma_wait3A_212 = tpu.memref_squeeze %dma_wait3A_211 : memref<1x128xi32, #tpu.memory_space<vmem>> -> memref<128xi32, #tpu.memory_space<vmem>>
        %dma_wait3A_213 = arith.constant 0 : i32
        %dma_wait3A_214 = arith.constant 0 : i32
        %dma_wait3A_215 = tpu.memref_slice %arg3[%dma_wait3A_213, %dma_wait3A_214] : memref<10000x48xf32, #tpu.memory_space<hbm>> -> memref<10000x48xf32, #tpu.memory_space<hbm>>
        %dma_wait3A_216 = tpu.memref_slice %arg10[%dma_wait3A_205] : memref<6x!tpu.dma_semaphore, #tpu.memory_space<semaphore_mem>> -> memref<1x!tpu.dma_semaphore, #tpu.memory_space<semaphore_mem>>
        %dma_wait3A_217 = tpu.memref_squeeze %dma_wait3A_216 : memref<1x!tpu.dma_semaphore, #tpu.memory_space<semaphore_mem>> -> memref<!tpu.dma_semaphore, #tpu.memory_space<semaphore_mem>>
        tpu.wait_indirect_dma semaphore(%dma_wait3A_217 : memref<!tpu.dma_semaphore, #tpu.memory_space<semaphore_mem>>) src(%dma_wait3A_215 : memref<10000x48xf32, #tpu.memory_space<hbm>>) dst(%dma_wait3A_209 : memref<128x48xf32, #tpu.memory_space<vmem>>)
        %run_scoped3A = arith.constant 3 : i32
        "tpu.region"() ({
          %run_scoped3A_224 = tpu.sem_alloc : memref<!tpu.dma_semaphore, #tpu.memory_space<semaphore_mem>>
          %dma_start3A_225 = arith.constant 0 : i32
          %dma_start3A_226 = arith.constant 0 : i32
          %dma_start3A_227 = tpu.memref_slice %arg8[%run_scoped3A, %dma_start3A_225, %dma_start3A_226] : memref<6x128x48xf32, #tpu.memory_space<vmem>> -> memref<1x128x48xf32, #tpu.memory_space<vmem>>
          %dma_start3A_228 = tpu.memref_squeeze %dma_start3A_227 : memref<1x128x48xf32, #tpu.memory_space<vmem>> -> memref<128x48xf32, #tpu.memory_space<vmem>>
          %dma_start3A_229 = arith.constant 0 : i32
          %dma_start3A_230 = tpu.memref_slice %arg7[%add3A_183, %dma_start3A_229] : memref<79x128xi32, #tpu.memory_space<vmem>> -> memref<1x128xi32, #tpu.memory_space<vmem>>
          %dma_start3A_231 = tpu.memref_squeeze %dma_start3A_230 : memref<1x128xi32, #tpu.memory_space<vmem>> -> memref<128xi32, #tpu.memory_space<vmem>>
          %dma_start3A_232 = arith.constant 0 : i32
          %dma_start3A_233 = arith.constant 0 : i32
          %dma_start3A_234 = tpu.memref_slice %arg9[%dma_start3A_232, %dma_start3A_233] : memref<10000x48xf32, #tpu.memory_space<vmem_shared>> -> memref<10000x48xf32, #tpu.memory_space<vmem_shared>>
          tpu.enqueue_indirect_dma source(%dma_start3A_228 : memref<128x48xf32, #tpu.memory_space<vmem>>) target(%dma_start3A_234 : memref<10000x48xf32, #tpu.memory_space<vmem_shared>>) offsets(%dma_start3A_231 : memref<128xi32, #tpu.memory_space<vmem>>) semaphore(%run_scoped3A_224 : memref<!tpu.dma_semaphore, #tpu.memory_space<semaphore_mem>>) {add = true}
          %dma_wait3A_235 = arith.constant 0 : i32
          %dma_wait3A_236 = arith.constant 0 : i32
          %dma_wait3A_237 = tpu.memref_slice %arg8[%run_scoped3A, %dma_wait3A_235, %dma_wait3A_236] : memref<6x128x48xf32, #tpu.memory_space<vmem>> -> memref<1x128x48xf32, #tpu.memory_space<vmem>>
          %dma_wait3A_238 = tpu.memref_squeeze %dma_wait3A_237 : memref<1x128x48xf32, #tpu.memory_space<vmem>> -> memref<128x48xf32, #tpu.memory_space<vmem>>
          %dma_wait3A_239 = arith.constant 0 : i32
          %dma_wait3A_240 = tpu.memref_slice %arg7[%add3A_183, %dma_wait3A_239] : memref<79x128xi32, #tpu.memory_space<vmem>> -> memref<1x128xi32, #tpu.memory_space<vmem>>
          %dma_wait3A_241 = tpu.memref_squeeze %dma_wait3A_240 : memref<1x128xi32, #tpu.memory_space<vmem>> -> memref<128xi32, #tpu.memory_space<vmem>>
          %dma_wait3A_242 = arith.constant 0 : i32
          %dma_wait3A_243 = arith.constant 0 : i32
          %dma_wait3A_244 = tpu.memref_slice %arg9[%dma_wait3A_242, %dma_wait3A_243] : memref<10000x48xf32, #tpu.memory_space<vmem_shared>> -> memref<10000x48xf32, #tpu.memory_space<vmem_shared>>
          tpu.wait_indirect_dma semaphore(%run_scoped3A_224 : memref<!tpu.dma_semaphore, #tpu.memory_space<semaphore_mem>>) src(%dma_wait3A_238 : memref<128x48xf32, #tpu.memory_space<vmem>>) dst(%dma_wait3A_244 : memref<10000x48xf32, #tpu.memory_space<vmem_shared>>)
          tpu.yield
        }) : () -> ()
        %add3A_218 = arith.constant 6 : i32
        %add3A_219 = arith.addi %add3A_183, %add3A_218 : i32
        %lt3A_220 = arith.cmpi slt, %add3A_219, %select_n3A : i32
        %convert_element_type3A_221 = arith.extui %lt3A_220 : i1 to i32
        %cond3A_222 = arith.constant 0 : i32
        %cond3A_223 = arith.cmpi ne, %convert_element_type3A_221, %cond3A_222 : i32
        scf.if %cond3A_223 {
          %add3A_224 = arith.constant 6 : i32
          %add3A_225 = arith.addi %add3A_183, %add3A_224 : i32
          %dma_start3A_226 = arith.constant 3 : i32
          %dma_start3A_227 = arith.constant 3 : i32
          %dma_start3A_228 = arith.constant 0 : i32
          %dma_start3A_229 = arith.constant 0 : i32
          %dma_start3A_230 = tpu.memref_slice %arg8[%dma_start3A_226, %dma_start3A_228, %dma_start3A_229] : memref<6x128x48xf32, #tpu.memory_space<vmem>> -> memref<1x128x48xf32, #tpu.memory_space<vmem>>
          %dma_start3A_231 = tpu.memref_squeeze %dma_start3A_230 : memref<1x128x48xf32, #tpu.memory_space<vmem>> -> memref<128x48xf32, #tpu.memory_space<vmem>>
          %dma_start3A_232 = arith.constant 0 : i32
          %dma_start3A_233 = tpu.memref_slice %arg6[%add3A_225, %dma_start3A_232] : memref<79x128xi32, #tpu.memory_space<vmem>> -> memref<1x128xi32, #tpu.memory_space<vmem>>
          %dma_start3A_234 = tpu.memref_squeeze %dma_start3A_233 : memref<1x128xi32, #tpu.memory_space<vmem>> -> memref<128xi32, #tpu.memory_space<vmem>>
          %dma_start3A_235 = arith.constant 0 : i32
          %dma_start3A_236 = arith.constant 0 : i32
          %dma_start3A_237 = tpu.memref_slice %arg3[%dma_start3A_235, %dma_start3A_236] : memref<10000x48xf32, #tpu.memory_space<hbm>> -> memref<10000x48xf32, #tpu.memory_space<hbm>>
          %dma_start3A_238 = tpu.memref_slice %arg10[%dma_start3A_227] : memref<6x!tpu.dma_semaphore, #tpu.memory_space<semaphore_mem>> -> memref<1x!tpu.dma_semaphore, #tpu.memory_space<semaphore_mem>>
          %dma_start3A_239 = tpu.memref_squeeze %dma_start3A_238 : memref<1x!tpu.dma_semaphore, #tpu.memory_space<semaphore_mem>> -> memref<!tpu.dma_semaphore, #tpu.memory_space<semaphore_mem>>
          tpu.enqueue_indirect_dma source(%dma_start3A_237 : memref<10000x48xf32, #tpu.memory_space<hbm>>) target(%dma_start3A_231 : memref<128x48xf32, #tpu.memory_space<vmem>>) offsets(%dma_start3A_234 : memref<128xi32, #tpu.memory_space<vmem>>) semaphore(%dma_start3A_239 : memref<!tpu.dma_semaphore, #tpu.memory_space<semaphore_mem>>)
        } else {
        }
      } else {
      }
      %mul3A_188 = arith.constant 6 : i32
      %mul3A_189 = arith.muli %scan3A_158, %mul3A_188 : i32
      %add3A_190 = arith.constant 4 : i32
      %add3A_191 = arith.addi %mul3A_189, %add3A_190 : i32
      %lt3A_192 = arith.cmpi slt, %add3A_191, %select_n3A : i32
      %convert_element_type3A_193 = arith.extui %lt3A_192 : i1 to i32
      %cond3A_194 = arith.constant 0 : i32
      %cond3A_195 = arith.cmpi ne, %convert_element_type3A_193, %cond3A_194 : i32
      scf.if %cond3A_195 {
        %dma_wait3A_204 = arith.constant 4 : i32
        %dma_wait3A_205 = arith.constant 4 : i32
        %dma_wait3A_206 = arith.constant 0 : i32
        %dma_wait3A_207 = arith.constant 0 : i32
        %dma_wait3A_208 = tpu.memref_slice %arg8[%dma_wait3A_204, %dma_wait3A_206, %dma_wait3A_207] : memref<6x128x48xf32, #tpu.memory_space<vmem>> -> memref<1x128x48xf32, #tpu.memory_space<vmem>>
        %dma_wait3A_209 = tpu.memref_squeeze %dma_wait3A_208 : memref<1x128x48xf32, #tpu.memory_space<vmem>> -> memref<128x48xf32, #tpu.memory_space<vmem>>
        %dma_wait3A_210 = arith.constant 0 : i32
        %dma_wait3A_211 = tpu.memref_slice %arg6[%add3A_191, %dma_wait3A_210] : memref<79x128xi32, #tpu.memory_space<vmem>> -> memref<1x128xi32, #tpu.memory_space<vmem>>
        %dma_wait3A_212 = tpu.memref_squeeze %dma_wait3A_211 : memref<1x128xi32, #tpu.memory_space<vmem>> -> memref<128xi32, #tpu.memory_space<vmem>>
        %dma_wait3A_213 = arith.constant 0 : i32
        %dma_wait3A_214 = arith.constant 0 : i32
        %dma_wait3A_215 = tpu.memref_slice %arg3[%dma_wait3A_213, %dma_wait3A_214] : memref<10000x48xf32, #tpu.memory_space<hbm>> -> memref<10000x48xf32, #tpu.memory_space<hbm>>
        %dma_wait3A_216 = tpu.memref_slice %arg10[%dma_wait3A_205] : memref<6x!tpu.dma_semaphore, #tpu.memory_space<semaphore_mem>> -> memref<1x!tpu.dma_semaphore, #tpu.memory_space<semaphore_mem>>
        %dma_wait3A_217 = tpu.memref_squeeze %dma_wait3A_216 : memref<1x!tpu.dma_semaphore, #tpu.memory_space<semaphore_mem>> -> memref<!tpu.dma_semaphore, #tpu.memory_space<semaphore_mem>>
        tpu.wait_indirect_dma semaphore(%dma_wait3A_217 : memref<!tpu.dma_semaphore, #tpu.memory_space<semaphore_mem>>) src(%dma_wait3A_215 : memref<10000x48xf32, #tpu.memory_space<hbm>>) dst(%dma_wait3A_209 : memref<128x48xf32, #tpu.memory_space<vmem>>)
        %run_scoped3A = arith.constant 4 : i32
        "tpu.region"() ({
          %run_scoped3A_224 = tpu.sem_alloc : memref<!tpu.dma_semaphore, #tpu.memory_space<semaphore_mem>>
          %dma_start3A_225 = arith.constant 0 : i32
          %dma_start3A_226 = arith.constant 0 : i32
          %dma_start3A_227 = tpu.memref_slice %arg8[%run_scoped3A, %dma_start3A_225, %dma_start3A_226] : memref<6x128x48xf32, #tpu.memory_space<vmem>> -> memref<1x128x48xf32, #tpu.memory_space<vmem>>
          %dma_start3A_228 = tpu.memref_squeeze %dma_start3A_227 : memref<1x128x48xf32, #tpu.memory_space<vmem>> -> memref<128x48xf32, #tpu.memory_space<vmem>>
          %dma_start3A_229 = arith.constant 0 : i32
          %dma_start3A_230 = tpu.memref_slice %arg7[%add3A_191, %dma_start3A_229] : memref<79x128xi32, #tpu.memory_space<vmem>> -> memref<1x128xi32, #tpu.memory_space<vmem>>
          %dma_start3A_231 = tpu.memref_squeeze %dma_start3A_230 : memref<1x128xi32, #tpu.memory_space<vmem>> -> memref<128xi32, #tpu.memory_space<vmem>>
          %dma_start3A_232 = arith.constant 0 : i32
          %dma_start3A_233 = arith.constant 0 : i32
          %dma_start3A_234 = tpu.memref_slice %arg9[%dma_start3A_232, %dma_start3A_233] : memref<10000x48xf32, #tpu.memory_space<vmem_shared>> -> memref<10000x48xf32, #tpu.memory_space<vmem_shared>>
          tpu.enqueue_indirect_dma source(%dma_start3A_228 : memref<128x48xf32, #tpu.memory_space<vmem>>) target(%dma_start3A_234 : memref<10000x48xf32, #tpu.memory_space<vmem_shared>>) offsets(%dma_start3A_231 : memref<128xi32, #tpu.memory_space<vmem>>) semaphore(%run_scoped3A_224 : memref<!tpu.dma_semaphore, #tpu.memory_space<semaphore_mem>>) {add = true}
          %dma_wait3A_235 = arith.constant 0 : i32
          %dma_wait3A_236 = arith.constant 0 : i32
          %dma_wait3A_237 = tpu.memref_slice %arg8[%run_scoped3A, %dma_wait3A_235, %dma_wait3A_236] : memref<6x128x48xf32, #tpu.memory_space<vmem>> -> memref<1x128x48xf32, #tpu.memory_space<vmem>>
          %dma_wait3A_238 = tpu.memref_squeeze %dma_wait3A_237 : memref<1x128x48xf32, #tpu.memory_space<vmem>> -> memref<128x48xf32, #tpu.memory_space<vmem>>
          %dma_wait3A_239 = arith.constant 0 : i32
          %dma_wait3A_240 = tpu.memref_slice %arg7[%add3A_191, %dma_wait3A_239] : memref<79x128xi32, #tpu.memory_space<vmem>> -> memref<1x128xi32, #tpu.memory_space<vmem>>
          %dma_wait3A_241 = tpu.memref_squeeze %dma_wait3A_240 : memref<1x128xi32, #tpu.memory_space<vmem>> -> memref<128xi32, #tpu.memory_space<vmem>>
          %dma_wait3A_242 = arith.constant 0 : i32
          %dma_wait3A_243 = arith.constant 0 : i32
          %dma_wait3A_244 = tpu.memref_slice %arg9[%dma_wait3A_242, %dma_wait3A_243] : memref<10000x48xf32, #tpu.memory_space<vmem_shared>> -> memref<10000x48xf32, #tpu.memory_space<vmem_shared>>
          tpu.wait_indirect_dma semaphore(%run_scoped3A_224 : memref<!tpu.dma_semaphore, #tpu.memory_space<semaphore_mem>>) src(%dma_wait3A_238 : memref<128x48xf32, #tpu.memory_space<vmem>>) dst(%dma_wait3A_244 : memref<10000x48xf32, #tpu.memory_space<vmem_shared>>)
          tpu.yield
        }) : () -> ()
        %add3A_218 = arith.constant 6 : i32
        %add3A_219 = arith.addi %add3A_191, %add3A_218 : i32
        %lt3A_220 = arith.cmpi slt, %add3A_219, %select_n3A : i32
        %convert_element_type3A_221 = arith.extui %lt3A_220 : i1 to i32
        %cond3A_222 = arith.constant 0 : i32
        %cond3A_223 = arith.cmpi ne, %convert_element_type3A_221, %cond3A_222 : i32
        scf.if %cond3A_223 {
          %add3A_224 = arith.constant 6 : i32
          %add3A_225 = arith.addi %add3A_191, %add3A_224 : i32
          %dma_start3A_226 = arith.constant 4 : i32
          %dma_start3A_227 = arith.constant 4 : i32
          %dma_start3A_228 = arith.constant 0 : i32
          %dma_start3A_229 = arith.constant 0 : i32
          %dma_start3A_230 = tpu.memref_slice %arg8[%dma_start3A_226, %dma_start3A_228, %dma_start3A_229] : memref<6x128x48xf32, #tpu.memory_space<vmem>> -> memref<1x128x48xf32, #tpu.memory_space<vmem>>
          %dma_start3A_231 = tpu.memref_squeeze %dma_start3A_230 : memref<1x128x48xf32, #tpu.memory_space<vmem>> -> memref<128x48xf32, #tpu.memory_space<vmem>>
          %dma_start3A_232 = arith.constant 0 : i32
          %dma_start3A_233 = tpu.memref_slice %arg6[%add3A_225, %dma_start3A_232] : memref<79x128xi32, #tpu.memory_space<vmem>> -> memref<1x128xi32, #tpu.memory_space<vmem>>
          %dma_start3A_234 = tpu.memref_squeeze %dma_start3A_233 : memref<1x128xi32, #tpu.memory_space<vmem>> -> memref<128xi32, #tpu.memory_space<vmem>>
          %dma_start3A_235 = arith.constant 0 : i32
          %dma_start3A_236 = arith.constant 0 : i32
          %dma_start3A_237 = tpu.memref_slice %arg3[%dma_start3A_235, %dma_start3A_236] : memref<10000x48xf32, #tpu.memory_space<hbm>> -> memref<10000x48xf32, #tpu.memory_space<hbm>>
          %dma_start3A_238 = tpu.memref_slice %arg10[%dma_start3A_227] : memref<6x!tpu.dma_semaphore, #tpu.memory_space<semaphore_mem>> -> memref<1x!tpu.dma_semaphore, #tpu.memory_space<semaphore_mem>>
          %dma_start3A_239 = tpu.memref_squeeze %dma_start3A_238 : memref<1x!tpu.dma_semaphore, #tpu.memory_space<semaphore_mem>> -> memref<!tpu.dma_semaphore, #tpu.memory_space<semaphore_mem>>
          tpu.enqueue_indirect_dma source(%dma_start3A_237 : memref<10000x48xf32, #tpu.memory_space<hbm>>) target(%dma_start3A_231 : memref<128x48xf32, #tpu.memory_space<vmem>>) offsets(%dma_start3A_234 : memref<128xi32, #tpu.memory_space<vmem>>) semaphore(%dma_start3A_239 : memref<!tpu.dma_semaphore, #tpu.memory_space<semaphore_mem>>)
        } else {
        }
      } else {
      }
      %mul3A_196 = arith.constant 6 : i32
      %mul3A_197 = arith.muli %scan3A_158, %mul3A_196 : i32
      %add3A_198 = arith.constant 5 : i32
      %add3A_199 = arith.addi %mul3A_197, %add3A_198 : i32
      %lt3A_200 = arith.cmpi slt, %add3A_199, %select_n3A : i32
      %convert_element_type3A_201 = arith.extui %lt3A_200 : i1 to i32
      %cond3A_202 = arith.constant 0 : i32
      %cond3A_203 = arith.cmpi ne, %convert_element_type3A_201, %cond3A_202 : i32
      scf.if %cond3A_203 {
        %dma_wait3A_204 = arith.constant 5 : i32
        %dma_wait3A_205 = arith.constant 5 : i32
        %dma_wait3A_206 = arith.constant 0 : i32
        %dma_wait3A_207 = arith.constant 0 : i32
        %dma_wait3A_208 = tpu.memref_slice %arg8[%dma_wait3A_204, %dma_wait3A_206, %dma_wait3A_207] : memref<6x128x48xf32, #tpu.memory_space<vmem>> -> memref<1x128x48xf32, #tpu.memory_space<vmem>>
        %dma_wait3A_209 = tpu.memref_squeeze %dma_wait3A_208 : memref<1x128x48xf32, #tpu.memory_space<vmem>> -> memref<128x48xf32, #tpu.memory_space<vmem>>
        %dma_wait3A_210 = arith.constant 0 : i32
        %dma_wait3A_211 = tpu.memref_slice %arg6[%add3A_199, %dma_wait3A_210] : memref<79x128xi32, #tpu.memory_space<vmem>> -> memref<1x128xi32, #tpu.memory_space<vmem>>
        %dma_wait3A_212 = tpu.memref_squeeze %dma_wait3A_211 : memref<1x128xi32, #tpu.memory_space<vmem>> -> memref<128xi32, #tpu.memory_space<vmem>>
        %dma_wait3A_213 = arith.constant 0 : i32
        %dma_wait3A_214 = arith.constant 0 : i32
        %dma_wait3A_215 = tpu.memref_slice %arg3[%dma_wait3A_213, %dma_wait3A_214] : memref<10000x48xf32, #tpu.memory_space<hbm>> -> memref<10000x48xf32, #tpu.memory_space<hbm>>
        %dma_wait3A_216 = tpu.memref_slice %arg10[%dma_wait3A_205] : memref<6x!tpu.dma_semaphore, #tpu.memory_space<semaphore_mem>> -> memref<1x!tpu.dma_semaphore, #tpu.memory_space<semaphore_mem>>
        %dma_wait3A_217 = tpu.memref_squeeze %dma_wait3A_216 : memref<1x!tpu.dma_semaphore, #tpu.memory_space<semaphore_mem>> -> memref<!tpu.dma_semaphore, #tpu.memory_space<semaphore_mem>>
        tpu.wait_indirect_dma semaphore(%dma_wait3A_217 : memref<!tpu.dma_semaphore, #tpu.memory_space<semaphore_mem>>) src(%dma_wait3A_215 : memref<10000x48xf32, #tpu.memory_space<hbm>>) dst(%dma_wait3A_209 : memref<128x48xf32, #tpu.memory_space<vmem>>)
        %run_scoped3A = arith.constant 5 : i32
        "tpu.region"() ({
          %run_scoped3A_224 = tpu.sem_alloc : memref<!tpu.dma_semaphore, #tpu.memory_space<semaphore_mem>>
          %dma_start3A_225 = arith.constant 0 : i32
          %dma_start3A_226 = arith.constant 0 : i32
          %dma_start3A_227 = tpu.memref_slice %arg8[%run_scoped3A, %dma_start3A_225, %dma_start3A_226] : memref<6x128x48xf32, #tpu.memory_space<vmem>> -> memref<1x128x48xf32, #tpu.memory_space<vmem>>
          %dma_start3A_228 = tpu.memref_squeeze %dma_start3A_227 : memref<1x128x48xf32, #tpu.memory_space<vmem>> -> memref<128x48xf32, #tpu.memory_space<vmem>>
          %dma_start3A_229 = arith.constant 0 : i32
          %dma_start3A_230 = tpu.memref_slice %arg7[%add3A_199, %dma_start3A_229] : memref<79x128xi32, #tpu.memory_space<vmem>> -> memref<1x128xi32, #tpu.memory_space<vmem>>
          %dma_start3A_231 = tpu.memref_squeeze %dma_start3A_230 : memref<1x128xi32, #tpu.memory_space<vmem>> -> memref<128xi32, #tpu.memory_space<vmem>>
          %dma_start3A_232 = arith.constant 0 : i32
          %dma_start3A_233 = arith.constant 0 : i32
          %dma_start3A_234 = tpu.memref_slice %arg9[%dma_start3A_232, %dma_start3A_233] : memref<10000x48xf32, #tpu.memory_space<vmem_shared>> -> memref<10000x48xf32, #tpu.memory_space<vmem_shared>>
          tpu.enqueue_indirect_dma source(%dma_start3A_228 : memref<128x48xf32, #tpu.memory_space<vmem>>) target(%dma_start3A_234 : memref<10000x48xf32, #tpu.memory_space<vmem_shared>>) offsets(%dma_start3A_231 : memref<128xi32, #tpu.memory_space<vmem>>) semaphore(%run_scoped3A_224 : memref<!tpu.dma_semaphore, #tpu.memory_space<semaphore_mem>>) {add = true}
          %dma_wait3A_235 = arith.constant 0 : i32
          %dma_wait3A_236 = arith.constant 0 : i32
          %dma_wait3A_237 = tpu.memref_slice %arg8[%run_scoped3A, %dma_wait3A_235, %dma_wait3A_236] : memref<6x128x48xf32, #tpu.memory_space<vmem>> -> memref<1x128x48xf32, #tpu.memory_space<vmem>>
          %dma_wait3A_238 = tpu.memref_squeeze %dma_wait3A_237 : memref<1x128x48xf32, #tpu.memory_space<vmem>> -> memref<128x48xf32, #tpu.memory_space<vmem>>
          %dma_wait3A_239 = arith.constant 0 : i32
          %dma_wait3A_240 = tpu.memref_slice %arg7[%add3A_199, %dma_wait3A_239] : memref<79x128xi32, #tpu.memory_space<vmem>> -> memref<1x128xi32, #tpu.memory_space<vmem>>
          %dma_wait3A_241 = tpu.memref_squeeze %dma_wait3A_240 : memref<1x128xi32, #tpu.memory_space<vmem>> -> memref<128xi32, #tpu.memory_space<vmem>>
          %dma_wait3A_242 = arith.constant 0 : i32
          %dma_wait3A_243 = arith.constant 0 : i32
          %dma_wait3A_244 = tpu.memref_slice %arg9[%dma_wait3A_242, %dma_wait3A_243] : memref<10000x48xf32, #tpu.memory_space<vmem_shared>> -> memref<10000x48xf32, #tpu.memory_space<vmem_shared>>
          tpu.wait_indirect_dma semaphore(%run_scoped3A_224 : memref<!tpu.dma_semaphore, #tpu.memory_space<semaphore_mem>>) src(%dma_wait3A_238 : memref<128x48xf32, #tpu.memory_space<vmem>>) dst(%dma_wait3A_244 : memref<10000x48xf32, #tpu.memory_space<vmem_shared>>)
          tpu.yield
        }) : () -> ()
        %add3A_218 = arith.constant 6 : i32
        %add3A_219 = arith.addi %add3A_199, %add3A_218 : i32
        %lt3A_220 = arith.cmpi slt, %add3A_219, %select_n3A : i32
        %convert_element_type3A_221 = arith.extui %lt3A_220 : i1 to i32
        %cond3A_222 = arith.constant 0 : i32
        %cond3A_223 = arith.cmpi ne, %convert_element_type3A_221, %cond3A_222 : i32
        scf.if %cond3A_223 {
          %add3A_224 = arith.constant 6 : i32
          %add3A_225 = arith.addi %add3A_199, %add3A_224 : i32
          %dma_start3A_226 = arith.constant 5 : i32
          %dma_start3A_227 = arith.constant 5 : i32
          %dma_start3A_228 = arith.constant 0 : i32
          %dma_start3A_229 = arith.constant 0 : i32
          %dma_start3A_230 = tpu.memref_slice %arg8[%dma_start3A_226, %dma_start3A_228, %dma_start3A_229] : memref<6x128x48xf32, #tpu.memory_space<vmem>> -> memref<1x128x48xf32, #tpu.memory_space<vmem>>
          %dma_start3A_231 = tpu.memref_squeeze %dma_start3A_230 : memref<1x128x48xf32, #tpu.memory_space<vmem>> -> memref<128x48xf32, #tpu.memory_space<vmem>>
          %dma_start3A_232 = arith.constant 0 : i32
          %dma_start3A_233 = tpu.memref_slice %arg6[%add3A_225, %dma_start3A_232] : memref<79x128xi32, #tpu.memory_space<vmem>> -> memref<1x128xi32, #tpu.memory_space<vmem>>
          %dma_start3A_234 = tpu.memref_squeeze %dma_start3A_233 : memref<1x128xi32, #tpu.memory_space<vmem>> -> memref<128xi32, #tpu.memory_space<vmem>>
          %dma_start3A_235 = arith.constant 0 : i32
          %dma_start3A_236 = arith.constant 0 : i32
          %dma_start3A_237 = tpu.memref_slice %arg3[%dma_start3A_235, %dma_start3A_236] : memref<10000x48xf32, #tpu.memory_space<hbm>> -> memref<10000x48xf32, #tpu.memory_space<hbm>>
          %dma_start3A_238 = tpu.memref_slice %arg10[%dma_start3A_227] : memref<6x!tpu.dma_semaphore, #tpu.memory_space<semaphore_mem>> -> memref<1x!tpu.dma_semaphore, #tpu.memory_space<semaphore_mem>>
          %dma_start3A_239 = tpu.memref_squeeze %dma_start3A_238 : memref<1x!tpu.dma_semaphore, #tpu.memory_space<semaphore_mem>> -> memref<!tpu.dma_semaphore, #tpu.memory_space<semaphore_mem>>
          tpu.enqueue_indirect_dma source(%dma_start3A_237 : memref<10000x48xf32, #tpu.memory_space<hbm>>) target(%dma_start3A_231 : memref<128x48xf32, #tpu.memory_space<vmem>>) offsets(%dma_start3A_234 : memref<128xi32, #tpu.memory_space<vmem>>) semaphore(%dma_start3A_239 : memref<!tpu.dma_semaphore, #tpu.memory_space<semaphore_mem>>)
        } else {
        }
      } else {
      }
    }
    %scan3A_152 = arith.constant 14 : i32
    %barrier3A_153 = arith.constant 0 : index
    tpu.barrier barrier_id(%barrier3A_153)
    %mul3A_154 = arith.constant 625 : i32
    %mul3A_155 = arith.muli %arg1, %mul3A_154 : i32
    %mul3A_156 = arith.constant 625 : i32
    %mul3A_157 = arith.muli %arg1, %mul3A_156 : i32
    "tpu.region"() ({
      %run_scoped3A = tpu.sem_alloc : memref<!tpu.dma_semaphore, #tpu.memory_space<semaphore_mem>>
      %dma_start3A_158 = arith.constant 0 : i32
      %dma_start3A_159 = tpu.memref_slice %arg5[%arg0, %mul3A_157, %dma_start3A_158] : memref<2x10000x48xf32, #tpu.memory_space<hbm>> -> memref<1x625x48xf32, #tpu.memory_space<hbm>>
      %dma_start3A_160 = tpu.memref_squeeze %dma_start3A_159 : memref<1x625x48xf32, #tpu.memory_space<hbm>> -> memref<625x48xf32, #tpu.memory_space<hbm>>
      %dma_start3A_161 = arith.constant 0 : i32
      %dma_start3A_162 = tpu.memref_slice %arg9[%mul3A_155, %dma_start3A_161] : memref<10000x48xf32, #tpu.memory_space<vmem_shared>> -> memref<625x48xf32, #tpu.memory_space<vmem_shared>>
      tpu.enqueue_dma source(%dma_start3A_162 : memref<625x48xf32, #tpu.memory_space<vmem_shared>>) target(%dma_start3A_160 : memref<625x48xf32, #tpu.memory_space<hbm>>) target_semaphore(%run_scoped3A : memref<!tpu.dma_semaphore, #tpu.memory_space<semaphore_mem>>)
      %dma_wait3A_163 = arith.constant 0 : i32
      %dma_wait3A_164 = tpu.memref_slice %arg5[%arg0, %mul3A_157, %dma_wait3A_163] : memref<2x10000x48xf32, #tpu.memory_space<hbm>> -> memref<1x625x48xf32, #tpu.memory_space<hbm>>
      %dma_wait3A_165 = tpu.memref_squeeze %dma_wait3A_164 : memref<1x625x48xf32, #tpu.memory_space<hbm>> -> memref<625x48xf32, #tpu.memory_space<hbm>>
      %dma_wait3A_166 = arith.constant 0 : i32
      %dma_wait3A_167 = tpu.memref_slice %arg9[%mul3A_155, %dma_wait3A_166] : memref<10000x48xf32, #tpu.memory_space<vmem_shared>> -> memref<625x48xf32, #tpu.memory_space<vmem_shared>>
      tpu.wait_dma2 semaphore(%run_scoped3A : memref<!tpu.dma_semaphore, #tpu.memory_space<semaphore_mem>>) src(%dma_wait3A_167 : memref<625x48xf32, #tpu.memory_space<vmem_shared>>) dst(%dma_wait3A_165 : memref<625x48xf32, #tpu.memory_space<hbm>>)
      tpu.yield
    }) : () -> ()
    return
  }
}

#map = affine_map<(d0, d1) -> (0, 0, 0)>
#map1 = affine_map<(d0, d1) -> (0, 0)>
module attributes {stable_mosaic.version = 14 : i64} {
  func.func @_agg_d1(%arg0: i32, %arg1: i32, %arg2: memref<2x2500x128xi32, #tpu.memory_space<hbm>>, %arg3: memref<2x10000x72xf32, #tpu.memory_space<hbm>>, %arg4: memref<625x72xf32, #tpu.memory_space<hbm>>, %arg5: memref<2x10000x72xf32, #tpu.memory_space<hbm>>, %arg6: memref<157x128xi32, #tpu.memory_space<vmem>>, %arg7: memref<157x128xi32, #tpu.memory_space<vmem>>, %arg8: memref<4x128x72xf32, #tpu.memory_space<vmem>>, %arg9: memref<10000x72xf32, #tpu.memory_space<vmem_shared>>, %arg10: memref<4x!tpu.dma_semaphore, #tpu.memory_space<semaphore_mem>>, %arg11: memref<2x!tpu.dma_semaphore, #tpu.memory_space<semaphore_mem>>) attributes {dimension_semantics = [#tpu.dimension_semantics<core_parallel>, #tpu.dimension_semantics<subcore_parallel>], iteration_bounds = array<i64: 2, 16>, scalar_prefetch = 0 : i64, scratch_operands = 6 : i64, tpu.core_type = #tpu.core_type<sc_vector_subcore>, window_params = [{transform_indices = #map}, {transform_indices = #map}, {transform_indices = #map1}, {transform_indices = #map}]} {
    %mul3A = arith.constant 156 : i32
    %mul3A_0 = arith.muli %arg1, %mul3A : i32
    %sub3A = arith.constant 12 : i32
    %sub3A_1 = arith.subi %arg1, %sub3A : i32
    %max3A = arith.constant 0 : i32
    %max3A_2 = arith.maxsi %sub3A_1, %max3A : i32
    %add3A = arith.addi %mul3A_0, %max3A_2 : i32
    %ge3A = arith.constant 12 : i32
    %ge3A_3 = arith.cmpi sge, %arg1, %ge3A : i32
    %jit3A = arith.constant 157 : i32
    %jit3A_4 = arith.constant 156 : i32
    %select_n3A = arith.select %ge3A_3, %jit3A, %jit3A_4 : i32
    %dma_start3A = arith.constant 0 : i32
    %dma_start3A_5 = arith.constant 0 : i32
    %dma_start3A_6 = arith.constant 0 : i32
    %dma_start3A_7 = tpu.memref_slice %arg2[%dma_start3A, %add3A, %dma_start3A_6] : memref<2x2500x128xi32, #tpu.memory_space<hbm>> -> memref<1x157x128xi32, #tpu.memory_space<hbm>>
    %dma_start3A_8 = tpu.memref_squeeze %dma_start3A_7 : memref<1x157x128xi32, #tpu.memory_space<hbm>> -> memref<157x128xi32, #tpu.memory_space<hbm>>
    %dma_start3A_9 = tpu.memref_slice %arg11[%dma_start3A_5] : memref<2x!tpu.dma_semaphore, #tpu.memory_space<semaphore_mem>> -> memref<1x!tpu.dma_semaphore, #tpu.memory_space<semaphore_mem>>
    %dma_start3A_10 = tpu.memref_squeeze %dma_start3A_9 : memref<1x!tpu.dma_semaphore, #tpu.memory_space<semaphore_mem>> -> memref<!tpu.dma_semaphore, #tpu.memory_space<semaphore_mem>>
    %dma_start3A_11 = arith.constant 0 : i32
    %dma_start3A_12 = tpu.memref_slice %arg2[%dma_start3A, %add3A, %dma_start3A_11] : memref<2x2500x128xi32, #tpu.memory_space<hbm>> -> memref<1x157x128xi32, #tpu.memory_space<hbm>>
    %dma_start3A_13 = tpu.memref_squeeze %dma_start3A_12 : memref<1x157x128xi32, #tpu.memory_space<hbm>> -> memref<157x128xi32, #tpu.memory_space<hbm>>
    tpu.enqueue_dma source(%dma_start3A_13 : memref<157x128xi32, #tpu.memory_space<hbm>>) target(%arg6 : memref<157x128xi32, #tpu.memory_space<vmem>>) target_semaphore(%dma_start3A_10 : memref<!tpu.dma_semaphore, #tpu.memory_space<semaphore_mem>>)
    %dma_start3A_14 = arith.constant 1 : i32
    %dma_start3A_15 = arith.constant 1 : i32
    %dma_start3A_16 = arith.constant 0 : i32
    %dma_start3A_17 = tpu.memref_slice %arg2[%dma_start3A_14, %add3A, %dma_start3A_16] : memref<2x2500x128xi32, #tpu.memory_space<hbm>> -> memref<1x157x128xi32, #tpu.memory_space<hbm>>
    %dma_start3A_18 = tpu.memref_squeeze %dma_start3A_17 : memref<1x157x128xi32, #tpu.memory_space<hbm>> -> memref<157x128xi32, #tpu.memory_space<hbm>>
    %dma_start3A_19 = tpu.memref_slice %arg11[%dma_start3A_15] : memref<2x!tpu.dma_semaphore, #tpu.memory_space<semaphore_mem>> -> memref<1x!tpu.dma_semaphore, #tpu.memory_space<semaphore_mem>>
    %dma_start3A_20 = tpu.memref_squeeze %dma_start3A_19 : memref<1x!tpu.dma_semaphore, #tpu.memory_space<semaphore_mem>> -> memref<!tpu.dma_semaphore, #tpu.memory_space<semaphore_mem>>
    %dma_start3A_21 = arith.constant 0 : i32
    %dma_start3A_22 = tpu.memref_slice %arg2[%dma_start3A_14, %add3A, %dma_start3A_21] : memref<2x2500x128xi32, #tpu.memory_space<hbm>> -> memref<1x157x128xi32, #tpu.memory_space<hbm>>
    %dma_start3A_23 = tpu.memref_squeeze %dma_start3A_22 : memref<1x157x128xi32, #tpu.memory_space<hbm>> -> memref<157x128xi32, #tpu.memory_space<hbm>>
    tpu.enqueue_dma source(%dma_start3A_23 : memref<157x128xi32, #tpu.memory_space<hbm>>) target(%arg7 : memref<157x128xi32, #tpu.memory_space<vmem>>) target_semaphore(%dma_start3A_20 : memref<!tpu.dma_semaphore, #tpu.memory_space<semaphore_mem>>)
    %mul3A_24 = arith.constant 625 : i32
    %mul3A_25 = arith.muli %arg1, %mul3A_24 : i32
    %dma_start3A_26 = arith.constant 0 : i32
    %dma_start3A_27 = tpu.memref_slice %arg10[%dma_start3A_26] : memref<4x!tpu.dma_semaphore, #tpu.memory_space<semaphore_mem>> -> memref<1x!tpu.dma_semaphore, #tpu.memory_space<semaphore_mem>>
    %dma_start3A_28 = tpu.memref_squeeze %dma_start3A_27 : memref<1x!tpu.dma_semaphore, #tpu.memory_space<semaphore_mem>> -> memref<!tpu.dma_semaphore, #tpu.memory_space<semaphore_mem>>
    %dma_start3A_29 = arith.constant 0 : i32
    %dma_start3A_30 = tpu.memref_slice %arg9[%mul3A_25, %dma_start3A_29] : memref<10000x72xf32, #tpu.memory_space<vmem_shared>> -> memref<625x72xf32, #tpu.memory_space<vmem_shared>>
    tpu.enqueue_dma source(%arg4 : memref<625x72xf32, #tpu.memory_space<hbm>>) target(%dma_start3A_30 : memref<625x72xf32, #tpu.memory_space<vmem_shared>>) target_semaphore(%dma_start3A_28 : memref<!tpu.dma_semaphore, #tpu.memory_space<semaphore_mem>>)
    %dma_wait3A = arith.constant 0 : i32
    %dma_wait3A_31 = tpu.memref_slice %arg10[%dma_wait3A] : memref<4x!tpu.dma_semaphore, #tpu.memory_space<semaphore_mem>> -> memref<1x!tpu.dma_semaphore, #tpu.memory_space<semaphore_mem>>
    %dma_wait3A_32 = tpu.memref_squeeze %dma_wait3A_31 : memref<1x!tpu.dma_semaphore, #tpu.memory_space<semaphore_mem>> -> memref<!tpu.dma_semaphore, #tpu.memory_space<semaphore_mem>>
    %dma_wait3A_33 = arith.constant 0 : i32
    %dma_wait3A_34 = tpu.memref_slice %arg9[%mul3A_25, %dma_wait3A_33] : memref<10000x72xf32, #tpu.memory_space<vmem_shared>> -> memref<625x72xf32, #tpu.memory_space<vmem_shared>>
    tpu.wait_dma2 semaphore(%dma_wait3A_32 : memref<!tpu.dma_semaphore, #tpu.memory_space<semaphore_mem>>) src(%arg4 : memref<625x72xf32, #tpu.memory_space<hbm>>) dst(%dma_wait3A_34 : memref<625x72xf32, #tpu.memory_space<vmem_shared>>)
    %dma_wait3A_35 = arith.constant 0 : i32
    %dma_wait3A_36 = arith.constant 0 : i32
    %dma_wait3A_37 = arith.constant 0 : i32
    %dma_wait3A_38 = tpu.memref_slice %arg2[%dma_wait3A_35, %add3A, %dma_wait3A_37] : memref<2x2500x128xi32, #tpu.memory_space<hbm>> -> memref<1x157x128xi32, #tpu.memory_space<hbm>>
    %dma_wait3A_39 = tpu.memref_squeeze %dma_wait3A_38 : memref<1x157x128xi32, #tpu.memory_space<hbm>> -> memref<157x128xi32, #tpu.memory_space<hbm>>
    %dma_wait3A_40 = tpu.memref_slice %arg11[%dma_wait3A_36] : memref<2x!tpu.dma_semaphore, #tpu.memory_space<semaphore_mem>> -> memref<1x!tpu.dma_semaphore, #tpu.memory_space<semaphore_mem>>
    %dma_wait3A_41 = tpu.memref_squeeze %dma_wait3A_40 : memref<1x!tpu.dma_semaphore, #tpu.memory_space<semaphore_mem>> -> memref<!tpu.dma_semaphore, #tpu.memory_space<semaphore_mem>>
    %dma_wait3A_42 = arith.constant 0 : i32
    %dma_wait3A_43 = tpu.memref_slice %arg2[%dma_wait3A_35, %add3A, %dma_wait3A_42] : memref<2x2500x128xi32, #tpu.memory_space<hbm>> -> memref<1x157x128xi32, #tpu.memory_space<hbm>>
    %dma_wait3A_44 = tpu.memref_squeeze %dma_wait3A_43 : memref<1x157x128xi32, #tpu.memory_space<hbm>> -> memref<157x128xi32, #tpu.memory_space<hbm>>
    tpu.wait_dma2 semaphore(%dma_wait3A_41 : memref<!tpu.dma_semaphore, #tpu.memory_space<semaphore_mem>>) src(%dma_wait3A_44 : memref<157x128xi32, #tpu.memory_space<hbm>>) dst(%arg6 : memref<157x128xi32, #tpu.memory_space<vmem>>)
    %dma_wait3A_45 = arith.constant 1 : i32
    %dma_wait3A_46 = arith.constant 1 : i32
    %dma_wait3A_47 = arith.constant 0 : i32
    %dma_wait3A_48 = tpu.memref_slice %arg2[%dma_wait3A_45, %add3A, %dma_wait3A_47] : memref<2x2500x128xi32, #tpu.memory_space<hbm>> -> memref<1x157x128xi32, #tpu.memory_space<hbm>>
    %dma_wait3A_49 = tpu.memref_squeeze %dma_wait3A_48 : memref<1x157x128xi32, #tpu.memory_space<hbm>> -> memref<157x128xi32, #tpu.memory_space<hbm>>
    %dma_wait3A_50 = tpu.memref_slice %arg11[%dma_wait3A_46] : memref<2x!tpu.dma_semaphore, #tpu.memory_space<semaphore_mem>> -> memref<1x!tpu.dma_semaphore, #tpu.memory_space<semaphore_mem>>
    %dma_wait3A_51 = tpu.memref_squeeze %dma_wait3A_50 : memref<1x!tpu.dma_semaphore, #tpu.memory_space<semaphore_mem>> -> memref<!tpu.dma_semaphore, #tpu.memory_space<semaphore_mem>>
    %dma_wait3A_52 = arith.constant 0 : i32
    %dma_wait3A_53 = tpu.memref_slice %arg2[%dma_wait3A_45, %add3A, %dma_wait3A_52] : memref<2x2500x128xi32, #tpu.memory_space<hbm>> -> memref<1x157x128xi32, #tpu.memory_space<hbm>>
    %dma_wait3A_54 = tpu.memref_squeeze %dma_wait3A_53 : memref<1x157x128xi32, #tpu.memory_space<hbm>> -> memref<157x128xi32, #tpu.memory_space<hbm>>
    tpu.wait_dma2 semaphore(%dma_wait3A_51 : memref<!tpu.dma_semaphore, #tpu.memory_space<semaphore_mem>>) src(%dma_wait3A_54 : memref<157x128xi32, #tpu.memory_space<hbm>>) dst(%arg7 : memref<157x128xi32, #tpu.memory_space<vmem>>)
    %barrier3A = arith.constant 0 : index
    tpu.barrier barrier_id(%barrier3A)
    %dma_start3A_55 = arith.constant 0 : i32
    %dma_start3A_56 = arith.constant 0 : i32
    %dma_start3A_57 = arith.constant 0 : i32
    %dma_start3A_58 = arith.constant 0 : i32
    %dma_start3A_59 = arith.constant 0 : i32
    %dma_start3A_60 = tpu.memref_slice %arg8[%dma_start3A_56, %dma_start3A_58, %dma_start3A_59] : memref<4x128x72xf32, #tpu.memory_space<vmem>> -> memref<1x128x72xf32, #tpu.memory_space<vmem>>
    %dma_start3A_61 = tpu.memref_squeeze %dma_start3A_60 : memref<1x128x72xf32, #tpu.memory_space<vmem>> -> memref<128x72xf32, #tpu.memory_space<vmem>>
    %dma_start3A_62 = arith.constant 0 : i32
    %dma_start3A_63 = tpu.memref_slice %arg6[%dma_start3A_55, %dma_start3A_62] : memref<157x128xi32, #tpu.memory_space<vmem>> -> memref<1x128xi32, #tpu.memory_space<vmem>>
    %dma_start3A_64 = tpu.memref_squeeze %dma_start3A_63 : memref<1x128xi32, #tpu.memory_space<vmem>> -> memref<128xi32, #tpu.memory_space<vmem>>
    %dma_start3A_65 = arith.constant 0 : i32
    %dma_start3A_66 = arith.constant 0 : i32
    %dma_start3A_67 = tpu.memref_slice %arg3[%arg0, %dma_start3A_65, %dma_start3A_66] : memref<2x10000x72xf32, #tpu.memory_space<hbm>> -> memref<1x10000x72xf32, #tpu.memory_space<hbm>>
    %dma_start3A_68 = tpu.memref_squeeze %dma_start3A_67 : memref<1x10000x72xf32, #tpu.memory_space<hbm>> -> memref<10000x72xf32, #tpu.memory_space<hbm>>
    %dma_start3A_69 = arith.constant 0 : i32
    %dma_start3A_70 = arith.constant 0 : i32
    %dma_start3A_71 = tpu.memref_slice %dma_start3A_68[%dma_start3A_69, %dma_start3A_70] : memref<10000x72xf32, #tpu.memory_space<hbm>> -> memref<10000x72xf32, #tpu.memory_space<hbm>>
    %dma_start3A_72 = tpu.memref_slice %arg10[%dma_start3A_57] : memref<4x!tpu.dma_semaphore, #tpu.memory_space<semaphore_mem>> -> memref<1x!tpu.dma_semaphore, #tpu.memory_space<semaphore_mem>>
    %dma_start3A_73 = tpu.memref_squeeze %dma_start3A_72 : memref<1x!tpu.dma_semaphore, #tpu.memory_space<semaphore_mem>> -> memref<!tpu.dma_semaphore, #tpu.memory_space<semaphore_mem>>
    tpu.enqueue_indirect_dma source(%dma_start3A_71 : memref<10000x72xf32, #tpu.memory_space<hbm>>) target(%dma_start3A_61 : memref<128x72xf32, #tpu.memory_space<vmem>>) offsets(%dma_start3A_64 : memref<128xi32, #tpu.memory_space<vmem>>) semaphore(%dma_start3A_73 : memref<!tpu.dma_semaphore, #tpu.memory_space<semaphore_mem>>)
    %dma_start3A_74 = arith.constant 1 : i32
    %dma_start3A_75 = arith.constant 1 : i32
    %dma_start3A_76 = arith.constant 1 : i32
    %dma_start3A_77 = arith.constant 0 : i32
    %dma_start3A_78 = arith.constant 0 : i32
    %dma_start3A_79 = tpu.memref_slice %arg8[%dma_start3A_75, %dma_start3A_77, %dma_start3A_78] : memref<4x128x72xf32, #tpu.memory_space<vmem>> -> memref<1x128x72xf32, #tpu.memory_space<vmem>>
    %dma_start3A_80 = tpu.memref_squeeze %dma_start3A_79 : memref<1x128x72xf32, #tpu.memory_space<vmem>> -> memref<128x72xf32, #tpu.memory_space<vmem>>
    %dma_start3A_81 = arith.constant 0 : i32
    %dma_start3A_82 = tpu.memref_slice %arg6[%dma_start3A_74, %dma_start3A_81] : memref<157x128xi32, #tpu.memory_space<vmem>> -> memref<1x128xi32, #tpu.memory_space<vmem>>
    %dma_start3A_83 = tpu.memref_squeeze %dma_start3A_82 : memref<1x128xi32, #tpu.memory_space<vmem>> -> memref<128xi32, #tpu.memory_space<vmem>>
    %dma_start3A_84 = arith.constant 0 : i32
    %dma_start3A_85 = arith.constant 0 : i32
    %dma_start3A_86 = tpu.memref_slice %arg3[%arg0, %dma_start3A_84, %dma_start3A_85] : memref<2x10000x72xf32, #tpu.memory_space<hbm>> -> memref<1x10000x72xf32, #tpu.memory_space<hbm>>
    %dma_start3A_87 = tpu.memref_squeeze %dma_start3A_86 : memref<1x10000x72xf32, #tpu.memory_space<hbm>> -> memref<10000x72xf32, #tpu.memory_space<hbm>>
    %dma_start3A_88 = arith.constant 0 : i32
    %dma_start3A_89 = arith.constant 0 : i32
    %dma_start3A_90 = tpu.memref_slice %dma_start3A_87[%dma_start3A_88, %dma_start3A_89] : memref<10000x72xf32, #tpu.memory_space<hbm>> -> memref<10000x72xf32, #tpu.memory_space<hbm>>
    %dma_start3A_91 = tpu.memref_slice %arg10[%dma_start3A_76] : memref<4x!tpu.dma_semaphore, #tpu.memory_space<semaphore_mem>> -> memref<1x!tpu.dma_semaphore, #tpu.memory_space<semaphore_mem>>
    %dma_start3A_92 = tpu.memref_squeeze %dma_start3A_91 : memref<1x!tpu.dma_semaphore, #tpu.memory_space<semaphore_mem>> -> memref<!tpu.dma_semaphore, #tpu.memory_space<semaphore_mem>>
    tpu.enqueue_indirect_dma source(%dma_start3A_90 : memref<10000x72xf32, #tpu.memory_space<hbm>>) target(%dma_start3A_80 : memref<128x72xf32, #tpu.memory_space<vmem>>) offsets(%dma_start3A_83 : memref<128xi32, #tpu.memory_space<vmem>>) semaphore(%dma_start3A_92 : memref<!tpu.dma_semaphore, #tpu.memory_space<semaphore_mem>>)
    %dma_start3A_93 = arith.constant 2 : i32
    %dma_start3A_94 = arith.constant 2 : i32
    %dma_start3A_95 = arith.constant 2 : i32
    %dma_start3A_96 = arith.constant 0 : i32
    %dma_start3A_97 = arith.constant 0 : i32
    %dma_start3A_98 = tpu.memref_slice %arg8[%dma_start3A_94, %dma_start3A_96, %dma_start3A_97] : memref<4x128x72xf32, #tpu.memory_space<vmem>> -> memref<1x128x72xf32, #tpu.memory_space<vmem>>
    %dma_start3A_99 = tpu.memref_squeeze %dma_start3A_98 : memref<1x128x72xf32, #tpu.memory_space<vmem>> -> memref<128x72xf32, #tpu.memory_space<vmem>>
    %dma_start3A_100 = arith.constant 0 : i32
    %dma_start3A_101 = tpu.memref_slice %arg6[%dma_start3A_93, %dma_start3A_100] : memref<157x128xi32, #tpu.memory_space<vmem>> -> memref<1x128xi32, #tpu.memory_space<vmem>>
    %dma_start3A_102 = tpu.memref_squeeze %dma_start3A_101 : memref<1x128xi32, #tpu.memory_space<vmem>> -> memref<128xi32, #tpu.memory_space<vmem>>
    %dma_start3A_103 = arith.constant 0 : i32
    %dma_start3A_104 = arith.constant 0 : i32
    %dma_start3A_105 = tpu.memref_slice %arg3[%arg0, %dma_start3A_103, %dma_start3A_104] : memref<2x10000x72xf32, #tpu.memory_space<hbm>> -> memref<1x10000x72xf32, #tpu.memory_space<hbm>>
    %dma_start3A_106 = tpu.memref_squeeze %dma_start3A_105 : memref<1x10000x72xf32, #tpu.memory_space<hbm>> -> memref<10000x72xf32, #tpu.memory_space<hbm>>
    %dma_start3A_107 = arith.constant 0 : i32
    %dma_start3A_108 = arith.constant 0 : i32
    %dma_start3A_109 = tpu.memref_slice %dma_start3A_106[%dma_start3A_107, %dma_start3A_108] : memref<10000x72xf32, #tpu.memory_space<hbm>> -> memref<10000x72xf32, #tpu.memory_space<hbm>>
    %dma_start3A_110 = tpu.memref_slice %arg10[%dma_start3A_95] : memref<4x!tpu.dma_semaphore, #tpu.memory_space<semaphore_mem>> -> memref<1x!tpu.dma_semaphore, #tpu.memory_space<semaphore_mem>>
    %dma_start3A_111 = tpu.memref_squeeze %dma_start3A_110 : memref<1x!tpu.dma_semaphore, #tpu.memory_space<semaphore_mem>> -> memref<!tpu.dma_semaphore, #tpu.memory_space<semaphore_mem>>
    tpu.enqueue_indirect_dma source(%dma_start3A_109 : memref<10000x72xf32, #tpu.memory_space<hbm>>) target(%dma_start3A_99 : memref<128x72xf32, #tpu.memory_space<vmem>>) offsets(%dma_start3A_102 : memref<128xi32, #tpu.memory_space<vmem>>) semaphore(%dma_start3A_111 : memref<!tpu.dma_semaphore, #tpu.memory_space<semaphore_mem>>)
    %dma_start3A_112 = arith.constant 3 : i32
    %dma_start3A_113 = arith.constant 3 : i32
    %dma_start3A_114 = arith.constant 3 : i32
    %dma_start3A_115 = arith.constant 0 : i32
    %dma_start3A_116 = arith.constant 0 : i32
    %dma_start3A_117 = tpu.memref_slice %arg8[%dma_start3A_113, %dma_start3A_115, %dma_start3A_116] : memref<4x128x72xf32, #tpu.memory_space<vmem>> -> memref<1x128x72xf32, #tpu.memory_space<vmem>>
    %dma_start3A_118 = tpu.memref_squeeze %dma_start3A_117 : memref<1x128x72xf32, #tpu.memory_space<vmem>> -> memref<128x72xf32, #tpu.memory_space<vmem>>
    %dma_start3A_119 = arith.constant 0 : i32
    %dma_start3A_120 = tpu.memref_slice %arg6[%dma_start3A_112, %dma_start3A_119] : memref<157x128xi32, #tpu.memory_space<vmem>> -> memref<1x128xi32, #tpu.memory_space<vmem>>
    %dma_start3A_121 = tpu.memref_squeeze %dma_start3A_120 : memref<1x128xi32, #tpu.memory_space<vmem>> -> memref<128xi32, #tpu.memory_space<vmem>>
    %dma_start3A_122 = arith.constant 0 : i32
    %dma_start3A_123 = arith.constant 0 : i32
    %dma_start3A_124 = tpu.memref_slice %arg3[%arg0, %dma_start3A_122, %dma_start3A_123] : memref<2x10000x72xf32, #tpu.memory_space<hbm>> -> memref<1x10000x72xf32, #tpu.memory_space<hbm>>
    %dma_start3A_125 = tpu.memref_squeeze %dma_start3A_124 : memref<1x10000x72xf32, #tpu.memory_space<hbm>> -> memref<10000x72xf32, #tpu.memory_space<hbm>>
    %dma_start3A_126 = arith.constant 0 : i32
    %dma_start3A_127 = arith.constant 0 : i32
    %dma_start3A_128 = tpu.memref_slice %dma_start3A_125[%dma_start3A_126, %dma_start3A_127] : memref<10000x72xf32, #tpu.memory_space<hbm>> -> memref<10000x72xf32, #tpu.memory_space<hbm>>
    %dma_start3A_129 = tpu.memref_slice %arg10[%dma_start3A_114] : memref<4x!tpu.dma_semaphore, #tpu.memory_space<semaphore_mem>> -> memref<1x!tpu.dma_semaphore, #tpu.memory_space<semaphore_mem>>
    %dma_start3A_130 = tpu.memref_squeeze %dma_start3A_129 : memref<1x!tpu.dma_semaphore, #tpu.memory_space<semaphore_mem>> -> memref<!tpu.dma_semaphore, #tpu.memory_space<semaphore_mem>>
    tpu.enqueue_indirect_dma source(%dma_start3A_128 : memref<10000x72xf32, #tpu.memory_space<hbm>>) target(%dma_start3A_118 : memref<128x72xf32, #tpu.memory_space<vmem>>) offsets(%dma_start3A_121 : memref<128xi32, #tpu.memory_space<vmem>>) semaphore(%dma_start3A_130 : memref<!tpu.dma_semaphore, #tpu.memory_space<semaphore_mem>>)
    %scan3A = arith.constant 0 : i32
    %scan3A_131 = arith.constant 0 : i32
    %scan3A_132 = arith.constant 40 : i32
    %scan3A_133 = arith.addi %scan3A_131, %scan3A_132 : i32
    %scan3A_134 = arith.constant 1 : i32
    scf.for %scan3A_141 = %scan3A_131 to %scan3A_133 step %scan3A_134  : i32 {
      %mul3A_142 = arith.constant 4 : i32
      %mul3A_143 = arith.muli %scan3A_141, %mul3A_142 : i32
      %add3A_144 = arith.constant 0 : i32
      %add3A_145 = arith.addi %mul3A_143, %add3A_144 : i32
      %lt3A = arith.cmpi slt, %add3A_145, %select_n3A : i32
      %convert_element_type3A = arith.extui %lt3A : i1 to i32
      %cond3A = arith.constant 0 : i32
      %cond3A_146 = arith.cmpi ne, %convert_element_type3A, %cond3A : i32
      scf.if %cond3A_146 {
        %dma_wait3A_171 = arith.constant 0 : i32
        %dma_wait3A_172 = arith.constant 0 : i32
        %dma_wait3A_173 = arith.constant 0 : i32
        %dma_wait3A_174 = arith.constant 0 : i32
        %dma_wait3A_175 = tpu.memref_slice %arg8[%dma_wait3A_171, %dma_wait3A_173, %dma_wait3A_174] : memref<4x128x72xf32, #tpu.memory_space<vmem>> -> memref<1x128x72xf32, #tpu.memory_space<vmem>>
        %dma_wait3A_176 = tpu.memref_squeeze %dma_wait3A_175 : memref<1x128x72xf32, #tpu.memory_space<vmem>> -> memref<128x72xf32, #tpu.memory_space<vmem>>
        %dma_wait3A_177 = arith.constant 0 : i32
        %dma_wait3A_178 = tpu.memref_slice %arg6[%add3A_145, %dma_wait3A_177] : memref<157x128xi32, #tpu.memory_space<vmem>> -> memref<1x128xi32, #tpu.memory_space<vmem>>
        %dma_wait3A_179 = tpu.memref_squeeze %dma_wait3A_178 : memref<1x128xi32, #tpu.memory_space<vmem>> -> memref<128xi32, #tpu.memory_space<vmem>>
        %dma_wait3A_180 = arith.constant 0 : i32
        %dma_wait3A_181 = arith.constant 0 : i32
        %dma_wait3A_182 = tpu.memref_slice %arg3[%arg0, %dma_wait3A_180, %dma_wait3A_181] : memref<2x10000x72xf32, #tpu.memory_space<hbm>> -> memref<1x10000x72xf32, #tpu.memory_space<hbm>>
        %dma_wait3A_183 = tpu.memref_squeeze %dma_wait3A_182 : memref<1x10000x72xf32, #tpu.memory_space<hbm>> -> memref<10000x72xf32, #tpu.memory_space<hbm>>
        %dma_wait3A_184 = arith.constant 0 : i32
        %dma_wait3A_185 = arith.constant 0 : i32
        %dma_wait3A_186 = tpu.memref_slice %dma_wait3A_183[%dma_wait3A_184, %dma_wait3A_185] : memref<10000x72xf32, #tpu.memory_space<hbm>> -> memref<10000x72xf32, #tpu.memory_space<hbm>>
        %dma_wait3A_187 = tpu.memref_slice %arg10[%dma_wait3A_172] : memref<4x!tpu.dma_semaphore, #tpu.memory_space<semaphore_mem>> -> memref<1x!tpu.dma_semaphore, #tpu.memory_space<semaphore_mem>>
        %dma_wait3A_188 = tpu.memref_squeeze %dma_wait3A_187 : memref<1x!tpu.dma_semaphore, #tpu.memory_space<semaphore_mem>> -> memref<!tpu.dma_semaphore, #tpu.memory_space<semaphore_mem>>
        tpu.wait_indirect_dma semaphore(%dma_wait3A_188 : memref<!tpu.dma_semaphore, #tpu.memory_space<semaphore_mem>>) src(%dma_wait3A_186 : memref<10000x72xf32, #tpu.memory_space<hbm>>) dst(%dma_wait3A_176 : memref<128x72xf32, #tpu.memory_space<vmem>>)
        %run_scoped3A = arith.constant 0 : i32
        "tpu.region"() ({
          %run_scoped3A_195 = tpu.sem_alloc : memref<!tpu.dma_semaphore, #tpu.memory_space<semaphore_mem>>
          %dma_start3A_196 = arith.constant 0 : i32
          %dma_start3A_197 = arith.constant 0 : i32
          %dma_start3A_198 = tpu.memref_slice %arg8[%run_scoped3A, %dma_start3A_196, %dma_start3A_197] : memref<4x128x72xf32, #tpu.memory_space<vmem>> -> memref<1x128x72xf32, #tpu.memory_space<vmem>>
          %dma_start3A_199 = tpu.memref_squeeze %dma_start3A_198 : memref<1x128x72xf32, #tpu.memory_space<vmem>> -> memref<128x72xf32, #tpu.memory_space<vmem>>
          %dma_start3A_200 = arith.constant 0 : i32
          %dma_start3A_201 = tpu.memref_slice %arg7[%add3A_145, %dma_start3A_200] : memref<157x128xi32, #tpu.memory_space<vmem>> -> memref<1x128xi32, #tpu.memory_space<vmem>>
          %dma_start3A_202 = tpu.memref_squeeze %dma_start3A_201 : memref<1x128xi32, #tpu.memory_space<vmem>> -> memref<128xi32, #tpu.memory_space<vmem>>
          %dma_start3A_203 = arith.constant 0 : i32
          %dma_start3A_204 = arith.constant 0 : i32
          %dma_start3A_205 = tpu.memref_slice %arg9[%dma_start3A_203, %dma_start3A_204] : memref<10000x72xf32, #tpu.memory_space<vmem_shared>> -> memref<10000x72xf32, #tpu.memory_space<vmem_shared>>
          tpu.enqueue_indirect_dma source(%dma_start3A_199 : memref<128x72xf32, #tpu.memory_space<vmem>>) target(%dma_start3A_205 : memref<10000x72xf32, #tpu.memory_space<vmem_shared>>) offsets(%dma_start3A_202 : memref<128xi32, #tpu.memory_space<vmem>>) semaphore(%run_scoped3A_195 : memref<!tpu.dma_semaphore, #tpu.memory_space<semaphore_mem>>) {add = true}
          %dma_wait3A_206 = arith.constant 0 : i32
          %dma_wait3A_207 = arith.constant 0 : i32
          %dma_wait3A_208 = tpu.memref_slice %arg8[%run_scoped3A, %dma_wait3A_206, %dma_wait3A_207] : memref<4x128x72xf32, #tpu.memory_space<vmem>> -> memref<1x128x72xf32, #tpu.memory_space<vmem>>
          %dma_wait3A_209 = tpu.memref_squeeze %dma_wait3A_208 : memref<1x128x72xf32, #tpu.memory_space<vmem>> -> memref<128x72xf32, #tpu.memory_space<vmem>>
          %dma_wait3A_210 = arith.constant 0 : i32
          %dma_wait3A_211 = tpu.memref_slice %arg7[%add3A_145, %dma_wait3A_210] : memref<157x128xi32, #tpu.memory_space<vmem>> -> memref<1x128xi32, #tpu.memory_space<vmem>>
          %dma_wait3A_212 = tpu.memref_squeeze %dma_wait3A_211 : memref<1x128xi32, #tpu.memory_space<vmem>> -> memref<128xi32, #tpu.memory_space<vmem>>
          %dma_wait3A_213 = arith.constant 0 : i32
          %dma_wait3A_214 = arith.constant 0 : i32
          %dma_wait3A_215 = tpu.memref_slice %arg9[%dma_wait3A_213, %dma_wait3A_214] : memref<10000x72xf32, #tpu.memory_space<vmem_shared>> -> memref<10000x72xf32, #tpu.memory_space<vmem_shared>>
          tpu.wait_indirect_dma semaphore(%run_scoped3A_195 : memref<!tpu.dma_semaphore, #tpu.memory_space<semaphore_mem>>) src(%dma_wait3A_209 : memref<128x72xf32, #tpu.memory_space<vmem>>) dst(%dma_wait3A_215 : memref<10000x72xf32, #tpu.memory_space<vmem_shared>>)
          tpu.yield
        }) : () -> ()
        %add3A_189 = arith.constant 4 : i32
        %add3A_190 = arith.addi %add3A_145, %add3A_189 : i32
        %lt3A_191 = arith.cmpi slt, %add3A_190, %select_n3A : i32
        %convert_element_type3A_192 = arith.extui %lt3A_191 : i1 to i32
        %cond3A_193 = arith.constant 0 : i32
        %cond3A_194 = arith.cmpi ne, %convert_element_type3A_192, %cond3A_193 : i32
        scf.if %cond3A_194 {
          %add3A_195 = arith.constant 4 : i32
          %add3A_196 = arith.addi %add3A_145, %add3A_195 : i32
          %dma_start3A_197 = arith.constant 0 : i32
          %dma_start3A_198 = arith.constant 0 : i32
          %dma_start3A_199 = arith.constant 0 : i32
          %dma_start3A_200 = arith.constant 0 : i32
          %dma_start3A_201 = tpu.memref_slice %arg8[%dma_start3A_197, %dma_start3A_199, %dma_start3A_200] : memref<4x128x72xf32, #tpu.memory_space<vmem>> -> memref<1x128x72xf32, #tpu.memory_space<vmem>>
          %dma_start3A_202 = tpu.memref_squeeze %dma_start3A_201 : memref<1x128x72xf32, #tpu.memory_space<vmem>> -> memref<128x72xf32, #tpu.memory_space<vmem>>
          %dma_start3A_203 = arith.constant 0 : i32
          %dma_start3A_204 = tpu.memref_slice %arg6[%add3A_196, %dma_start3A_203] : memref<157x128xi32, #tpu.memory_space<vmem>> -> memref<1x128xi32, #tpu.memory_space<vmem>>
          %dma_start3A_205 = tpu.memref_squeeze %dma_start3A_204 : memref<1x128xi32, #tpu.memory_space<vmem>> -> memref<128xi32, #tpu.memory_space<vmem>>
          %dma_start3A_206 = arith.constant 0 : i32
          %dma_start3A_207 = arith.constant 0 : i32
          %dma_start3A_208 = tpu.memref_slice %arg3[%arg0, %dma_start3A_206, %dma_start3A_207] : memref<2x10000x72xf32, #tpu.memory_space<hbm>> -> memref<1x10000x72xf32, #tpu.memory_space<hbm>>
          %dma_start3A_209 = tpu.memref_squeeze %dma_start3A_208 : memref<1x10000x72xf32, #tpu.memory_space<hbm>> -> memref<10000x72xf32, #tpu.memory_space<hbm>>
          %dma_start3A_210 = arith.constant 0 : i32
          %dma_start3A_211 = arith.constant 0 : i32
          %dma_start3A_212 = tpu.memref_slice %dma_start3A_209[%dma_start3A_210, %dma_start3A_211] : memref<10000x72xf32, #tpu.memory_space<hbm>> -> memref<10000x72xf32, #tpu.memory_space<hbm>>
          %dma_start3A_213 = tpu.memref_slice %arg10[%dma_start3A_198] : memref<4x!tpu.dma_semaphore, #tpu.memory_space<semaphore_mem>> -> memref<1x!tpu.dma_semaphore, #tpu.memory_space<semaphore_mem>>
          %dma_start3A_214 = tpu.memref_squeeze %dma_start3A_213 : memref<1x!tpu.dma_semaphore, #tpu.memory_space<semaphore_mem>> -> memref<!tpu.dma_semaphore, #tpu.memory_space<semaphore_mem>>
          tpu.enqueue_indirect_dma source(%dma_start3A_212 : memref<10000x72xf32, #tpu.memory_space<hbm>>) target(%dma_start3A_202 : memref<128x72xf32, #tpu.memory_space<vmem>>) offsets(%dma_start3A_205 : memref<128xi32, #tpu.memory_space<vmem>>) semaphore(%dma_start3A_214 : memref<!tpu.dma_semaphore, #tpu.memory_space<semaphore_mem>>)
        } else {
        }
      } else {
      }
      %mul3A_147 = arith.constant 4 : i32
      %mul3A_148 = arith.muli %scan3A_141, %mul3A_147 : i32
      %add3A_149 = arith.constant 1 : i32
      %add3A_150 = arith.addi %mul3A_148, %add3A_149 : i32
      %lt3A_151 = arith.cmpi slt, %add3A_150, %select_n3A : i32
      %convert_element_type3A_152 = arith.extui %lt3A_151 : i1 to i32
      %cond3A_153 = arith.constant 0 : i32
      %cond3A_154 = arith.cmpi ne, %convert_element_type3A_152, %cond3A_153 : i32
      scf.if %cond3A_154 {
        %dma_wait3A_171 = arith.constant 1 : i32
        %dma_wait3A_172 = arith.constant 1 : i32
        %dma_wait3A_173 = arith.constant 0 : i32
        %dma_wait3A_174 = arith.constant 0 : i32
        %dma_wait3A_175 = tpu.memref_slice %arg8[%dma_wait3A_171, %dma_wait3A_173, %dma_wait3A_174] : memref<4x128x72xf32, #tpu.memory_space<vmem>> -> memref<1x128x72xf32, #tpu.memory_space<vmem>>
        %dma_wait3A_176 = tpu.memref_squeeze %dma_wait3A_175 : memref<1x128x72xf32, #tpu.memory_space<vmem>> -> memref<128x72xf32, #tpu.memory_space<vmem>>
        %dma_wait3A_177 = arith.constant 0 : i32
        %dma_wait3A_178 = tpu.memref_slice %arg6[%add3A_150, %dma_wait3A_177] : memref<157x128xi32, #tpu.memory_space<vmem>> -> memref<1x128xi32, #tpu.memory_space<vmem>>
        %dma_wait3A_179 = tpu.memref_squeeze %dma_wait3A_178 : memref<1x128xi32, #tpu.memory_space<vmem>> -> memref<128xi32, #tpu.memory_space<vmem>>
        %dma_wait3A_180 = arith.constant 0 : i32
        %dma_wait3A_181 = arith.constant 0 : i32
        %dma_wait3A_182 = tpu.memref_slice %arg3[%arg0, %dma_wait3A_180, %dma_wait3A_181] : memref<2x10000x72xf32, #tpu.memory_space<hbm>> -> memref<1x10000x72xf32, #tpu.memory_space<hbm>>
        %dma_wait3A_183 = tpu.memref_squeeze %dma_wait3A_182 : memref<1x10000x72xf32, #tpu.memory_space<hbm>> -> memref<10000x72xf32, #tpu.memory_space<hbm>>
        %dma_wait3A_184 = arith.constant 0 : i32
        %dma_wait3A_185 = arith.constant 0 : i32
        %dma_wait3A_186 = tpu.memref_slice %dma_wait3A_183[%dma_wait3A_184, %dma_wait3A_185] : memref<10000x72xf32, #tpu.memory_space<hbm>> -> memref<10000x72xf32, #tpu.memory_space<hbm>>
        %dma_wait3A_187 = tpu.memref_slice %arg10[%dma_wait3A_172] : memref<4x!tpu.dma_semaphore, #tpu.memory_space<semaphore_mem>> -> memref<1x!tpu.dma_semaphore, #tpu.memory_space<semaphore_mem>>
        %dma_wait3A_188 = tpu.memref_squeeze %dma_wait3A_187 : memref<1x!tpu.dma_semaphore, #tpu.memory_space<semaphore_mem>> -> memref<!tpu.dma_semaphore, #tpu.memory_space<semaphore_mem>>
        tpu.wait_indirect_dma semaphore(%dma_wait3A_188 : memref<!tpu.dma_semaphore, #tpu.memory_space<semaphore_mem>>) src(%dma_wait3A_186 : memref<10000x72xf32, #tpu.memory_space<hbm>>) dst(%dma_wait3A_176 : memref<128x72xf32, #tpu.memory_space<vmem>>)
        %run_scoped3A = arith.constant 1 : i32
        "tpu.region"() ({
          %run_scoped3A_195 = tpu.sem_alloc : memref<!tpu.dma_semaphore, #tpu.memory_space<semaphore_mem>>
          %dma_start3A_196 = arith.constant 0 : i32
          %dma_start3A_197 = arith.constant 0 : i32
          %dma_start3A_198 = tpu.memref_slice %arg8[%run_scoped3A, %dma_start3A_196, %dma_start3A_197] : memref<4x128x72xf32, #tpu.memory_space<vmem>> -> memref<1x128x72xf32, #tpu.memory_space<vmem>>
          %dma_start3A_199 = tpu.memref_squeeze %dma_start3A_198 : memref<1x128x72xf32, #tpu.memory_space<vmem>> -> memref<128x72xf32, #tpu.memory_space<vmem>>
          %dma_start3A_200 = arith.constant 0 : i32
          %dma_start3A_201 = tpu.memref_slice %arg7[%add3A_150, %dma_start3A_200] : memref<157x128xi32, #tpu.memory_space<vmem>> -> memref<1x128xi32, #tpu.memory_space<vmem>>
          %dma_start3A_202 = tpu.memref_squeeze %dma_start3A_201 : memref<1x128xi32, #tpu.memory_space<vmem>> -> memref<128xi32, #tpu.memory_space<vmem>>
          %dma_start3A_203 = arith.constant 0 : i32
          %dma_start3A_204 = arith.constant 0 : i32
          %dma_start3A_205 = tpu.memref_slice %arg9[%dma_start3A_203, %dma_start3A_204] : memref<10000x72xf32, #tpu.memory_space<vmem_shared>> -> memref<10000x72xf32, #tpu.memory_space<vmem_shared>>
          tpu.enqueue_indirect_dma source(%dma_start3A_199 : memref<128x72xf32, #tpu.memory_space<vmem>>) target(%dma_start3A_205 : memref<10000x72xf32, #tpu.memory_space<vmem_shared>>) offsets(%dma_start3A_202 : memref<128xi32, #tpu.memory_space<vmem>>) semaphore(%run_scoped3A_195 : memref<!tpu.dma_semaphore, #tpu.memory_space<semaphore_mem>>) {add = true}
          %dma_wait3A_206 = arith.constant 0 : i32
          %dma_wait3A_207 = arith.constant 0 : i32
          %dma_wait3A_208 = tpu.memref_slice %arg8[%run_scoped3A, %dma_wait3A_206, %dma_wait3A_207] : memref<4x128x72xf32, #tpu.memory_space<vmem>> -> memref<1x128x72xf32, #tpu.memory_space<vmem>>
          %dma_wait3A_209 = tpu.memref_squeeze %dma_wait3A_208 : memref<1x128x72xf32, #tpu.memory_space<vmem>> -> memref<128x72xf32, #tpu.memory_space<vmem>>
          %dma_wait3A_210 = arith.constant 0 : i32
          %dma_wait3A_211 = tpu.memref_slice %arg7[%add3A_150, %dma_wait3A_210] : memref<157x128xi32, #tpu.memory_space<vmem>> -> memref<1x128xi32, #tpu.memory_space<vmem>>
          %dma_wait3A_212 = tpu.memref_squeeze %dma_wait3A_211 : memref<1x128xi32, #tpu.memory_space<vmem>> -> memref<128xi32, #tpu.memory_space<vmem>>
          %dma_wait3A_213 = arith.constant 0 : i32
          %dma_wait3A_214 = arith.constant 0 : i32
          %dma_wait3A_215 = tpu.memref_slice %arg9[%dma_wait3A_213, %dma_wait3A_214] : memref<10000x72xf32, #tpu.memory_space<vmem_shared>> -> memref<10000x72xf32, #tpu.memory_space<vmem_shared>>
          tpu.wait_indirect_dma semaphore(%run_scoped3A_195 : memref<!tpu.dma_semaphore, #tpu.memory_space<semaphore_mem>>) src(%dma_wait3A_209 : memref<128x72xf32, #tpu.memory_space<vmem>>) dst(%dma_wait3A_215 : memref<10000x72xf32, #tpu.memory_space<vmem_shared>>)
          tpu.yield
        }) : () -> ()
        %add3A_189 = arith.constant 4 : i32
        %add3A_190 = arith.addi %add3A_150, %add3A_189 : i32
        %lt3A_191 = arith.cmpi slt, %add3A_190, %select_n3A : i32
        %convert_element_type3A_192 = arith.extui %lt3A_191 : i1 to i32
        %cond3A_193 = arith.constant 0 : i32
        %cond3A_194 = arith.cmpi ne, %convert_element_type3A_192, %cond3A_193 : i32
        scf.if %cond3A_194 {
          %add3A_195 = arith.constant 4 : i32
          %add3A_196 = arith.addi %add3A_150, %add3A_195 : i32
          %dma_start3A_197 = arith.constant 1 : i32
          %dma_start3A_198 = arith.constant 1 : i32
          %dma_start3A_199 = arith.constant 0 : i32
          %dma_start3A_200 = arith.constant 0 : i32
          %dma_start3A_201 = tpu.memref_slice %arg8[%dma_start3A_197, %dma_start3A_199, %dma_start3A_200] : memref<4x128x72xf32, #tpu.memory_space<vmem>> -> memref<1x128x72xf32, #tpu.memory_space<vmem>>
          %dma_start3A_202 = tpu.memref_squeeze %dma_start3A_201 : memref<1x128x72xf32, #tpu.memory_space<vmem>> -> memref<128x72xf32, #tpu.memory_space<vmem>>
          %dma_start3A_203 = arith.constant 0 : i32
          %dma_start3A_204 = tpu.memref_slice %arg6[%add3A_196, %dma_start3A_203] : memref<157x128xi32, #tpu.memory_space<vmem>> -> memref<1x128xi32, #tpu.memory_space<vmem>>
          %dma_start3A_205 = tpu.memref_squeeze %dma_start3A_204 : memref<1x128xi32, #tpu.memory_space<vmem>> -> memref<128xi32, #tpu.memory_space<vmem>>
          %dma_start3A_206 = arith.constant 0 : i32
          %dma_start3A_207 = arith.constant 0 : i32
          %dma_start3A_208 = tpu.memref_slice %arg3[%arg0, %dma_start3A_206, %dma_start3A_207] : memref<2x10000x72xf32, #tpu.memory_space<hbm>> -> memref<1x10000x72xf32, #tpu.memory_space<hbm>>
          %dma_start3A_209 = tpu.memref_squeeze %dma_start3A_208 : memref<1x10000x72xf32, #tpu.memory_space<hbm>> -> memref<10000x72xf32, #tpu.memory_space<hbm>>
          %dma_start3A_210 = arith.constant 0 : i32
          %dma_start3A_211 = arith.constant 0 : i32
          %dma_start3A_212 = tpu.memref_slice %dma_start3A_209[%dma_start3A_210, %dma_start3A_211] : memref<10000x72xf32, #tpu.memory_space<hbm>> -> memref<10000x72xf32, #tpu.memory_space<hbm>>
          %dma_start3A_213 = tpu.memref_slice %arg10[%dma_start3A_198] : memref<4x!tpu.dma_semaphore, #tpu.memory_space<semaphore_mem>> -> memref<1x!tpu.dma_semaphore, #tpu.memory_space<semaphore_mem>>
          %dma_start3A_214 = tpu.memref_squeeze %dma_start3A_213 : memref<1x!tpu.dma_semaphore, #tpu.memory_space<semaphore_mem>> -> memref<!tpu.dma_semaphore, #tpu.memory_space<semaphore_mem>>
          tpu.enqueue_indirect_dma source(%dma_start3A_212 : memref<10000x72xf32, #tpu.memory_space<hbm>>) target(%dma_start3A_202 : memref<128x72xf32, #tpu.memory_space<vmem>>) offsets(%dma_start3A_205 : memref<128xi32, #tpu.memory_space<vmem>>) semaphore(%dma_start3A_214 : memref<!tpu.dma_semaphore, #tpu.memory_space<semaphore_mem>>)
        } else {
        }
      } else {
      }
      %mul3A_155 = arith.constant 4 : i32
      %mul3A_156 = arith.muli %scan3A_141, %mul3A_155 : i32
      %add3A_157 = arith.constant 2 : i32
      %add3A_158 = arith.addi %mul3A_156, %add3A_157 : i32
      %lt3A_159 = arith.cmpi slt, %add3A_158, %select_n3A : i32
      %convert_element_type3A_160 = arith.extui %lt3A_159 : i1 to i32
      %cond3A_161 = arith.constant 0 : i32
      %cond3A_162 = arith.cmpi ne, %convert_element_type3A_160, %cond3A_161 : i32
      scf.if %cond3A_162 {
        %dma_wait3A_171 = arith.constant 2 : i32
        %dma_wait3A_172 = arith.constant 2 : i32
        %dma_wait3A_173 = arith.constant 0 : i32
        %dma_wait3A_174 = arith.constant 0 : i32
        %dma_wait3A_175 = tpu.memref_slice %arg8[%dma_wait3A_171, %dma_wait3A_173, %dma_wait3A_174] : memref<4x128x72xf32, #tpu.memory_space<vmem>> -> memref<1x128x72xf32, #tpu.memory_space<vmem>>
        %dma_wait3A_176 = tpu.memref_squeeze %dma_wait3A_175 : memref<1x128x72xf32, #tpu.memory_space<vmem>> -> memref<128x72xf32, #tpu.memory_space<vmem>>
        %dma_wait3A_177 = arith.constant 0 : i32
        %dma_wait3A_178 = tpu.memref_slice %arg6[%add3A_158, %dma_wait3A_177] : memref<157x128xi32, #tpu.memory_space<vmem>> -> memref<1x128xi32, #tpu.memory_space<vmem>>
        %dma_wait3A_179 = tpu.memref_squeeze %dma_wait3A_178 : memref<1x128xi32, #tpu.memory_space<vmem>> -> memref<128xi32, #tpu.memory_space<vmem>>
        %dma_wait3A_180 = arith.constant 0 : i32
        %dma_wait3A_181 = arith.constant 0 : i32
        %dma_wait3A_182 = tpu.memref_slice %arg3[%arg0, %dma_wait3A_180, %dma_wait3A_181] : memref<2x10000x72xf32, #tpu.memory_space<hbm>> -> memref<1x10000x72xf32, #tpu.memory_space<hbm>>
        %dma_wait3A_183 = tpu.memref_squeeze %dma_wait3A_182 : memref<1x10000x72xf32, #tpu.memory_space<hbm>> -> memref<10000x72xf32, #tpu.memory_space<hbm>>
        %dma_wait3A_184 = arith.constant 0 : i32
        %dma_wait3A_185 = arith.constant 0 : i32
        %dma_wait3A_186 = tpu.memref_slice %dma_wait3A_183[%dma_wait3A_184, %dma_wait3A_185] : memref<10000x72xf32, #tpu.memory_space<hbm>> -> memref<10000x72xf32, #tpu.memory_space<hbm>>
        %dma_wait3A_187 = tpu.memref_slice %arg10[%dma_wait3A_172] : memref<4x!tpu.dma_semaphore, #tpu.memory_space<semaphore_mem>> -> memref<1x!tpu.dma_semaphore, #tpu.memory_space<semaphore_mem>>
        %dma_wait3A_188 = tpu.memref_squeeze %dma_wait3A_187 : memref<1x!tpu.dma_semaphore, #tpu.memory_space<semaphore_mem>> -> memref<!tpu.dma_semaphore, #tpu.memory_space<semaphore_mem>>
        tpu.wait_indirect_dma semaphore(%dma_wait3A_188 : memref<!tpu.dma_semaphore, #tpu.memory_space<semaphore_mem>>) src(%dma_wait3A_186 : memref<10000x72xf32, #tpu.memory_space<hbm>>) dst(%dma_wait3A_176 : memref<128x72xf32, #tpu.memory_space<vmem>>)
        %run_scoped3A = arith.constant 2 : i32
        "tpu.region"() ({
          %run_scoped3A_195 = tpu.sem_alloc : memref<!tpu.dma_semaphore, #tpu.memory_space<semaphore_mem>>
          %dma_start3A_196 = arith.constant 0 : i32
          %dma_start3A_197 = arith.constant 0 : i32
          %dma_start3A_198 = tpu.memref_slice %arg8[%run_scoped3A, %dma_start3A_196, %dma_start3A_197] : memref<4x128x72xf32, #tpu.memory_space<vmem>> -> memref<1x128x72xf32, #tpu.memory_space<vmem>>
          %dma_start3A_199 = tpu.memref_squeeze %dma_start3A_198 : memref<1x128x72xf32, #tpu.memory_space<vmem>> -> memref<128x72xf32, #tpu.memory_space<vmem>>
          %dma_start3A_200 = arith.constant 0 : i32
          %dma_start3A_201 = tpu.memref_slice %arg7[%add3A_158, %dma_start3A_200] : memref<157x128xi32, #tpu.memory_space<vmem>> -> memref<1x128xi32, #tpu.memory_space<vmem>>
          %dma_start3A_202 = tpu.memref_squeeze %dma_start3A_201 : memref<1x128xi32, #tpu.memory_space<vmem>> -> memref<128xi32, #tpu.memory_space<vmem>>
          %dma_start3A_203 = arith.constant 0 : i32
          %dma_start3A_204 = arith.constant 0 : i32
          %dma_start3A_205 = tpu.memref_slice %arg9[%dma_start3A_203, %dma_start3A_204] : memref<10000x72xf32, #tpu.memory_space<vmem_shared>> -> memref<10000x72xf32, #tpu.memory_space<vmem_shared>>
          tpu.enqueue_indirect_dma source(%dma_start3A_199 : memref<128x72xf32, #tpu.memory_space<vmem>>) target(%dma_start3A_205 : memref<10000x72xf32, #tpu.memory_space<vmem_shared>>) offsets(%dma_start3A_202 : memref<128xi32, #tpu.memory_space<vmem>>) semaphore(%run_scoped3A_195 : memref<!tpu.dma_semaphore, #tpu.memory_space<semaphore_mem>>) {add = true}
          %dma_wait3A_206 = arith.constant 0 : i32
          %dma_wait3A_207 = arith.constant 0 : i32
          %dma_wait3A_208 = tpu.memref_slice %arg8[%run_scoped3A, %dma_wait3A_206, %dma_wait3A_207] : memref<4x128x72xf32, #tpu.memory_space<vmem>> -> memref<1x128x72xf32, #tpu.memory_space<vmem>>
          %dma_wait3A_209 = tpu.memref_squeeze %dma_wait3A_208 : memref<1x128x72xf32, #tpu.memory_space<vmem>> -> memref<128x72xf32, #tpu.memory_space<vmem>>
          %dma_wait3A_210 = arith.constant 0 : i32
          %dma_wait3A_211 = tpu.memref_slice %arg7[%add3A_158, %dma_wait3A_210] : memref<157x128xi32, #tpu.memory_space<vmem>> -> memref<1x128xi32, #tpu.memory_space<vmem>>
          %dma_wait3A_212 = tpu.memref_squeeze %dma_wait3A_211 : memref<1x128xi32, #tpu.memory_space<vmem>> -> memref<128xi32, #tpu.memory_space<vmem>>
          %dma_wait3A_213 = arith.constant 0 : i32
          %dma_wait3A_214 = arith.constant 0 : i32
          %dma_wait3A_215 = tpu.memref_slice %arg9[%dma_wait3A_213, %dma_wait3A_214] : memref<10000x72xf32, #tpu.memory_space<vmem_shared>> -> memref<10000x72xf32, #tpu.memory_space<vmem_shared>>
          tpu.wait_indirect_dma semaphore(%run_scoped3A_195 : memref<!tpu.dma_semaphore, #tpu.memory_space<semaphore_mem>>) src(%dma_wait3A_209 : memref<128x72xf32, #tpu.memory_space<vmem>>) dst(%dma_wait3A_215 : memref<10000x72xf32, #tpu.memory_space<vmem_shared>>)
          tpu.yield
        }) : () -> ()
        %add3A_189 = arith.constant 4 : i32
        %add3A_190 = arith.addi %add3A_158, %add3A_189 : i32
        %lt3A_191 = arith.cmpi slt, %add3A_190, %select_n3A : i32
        %convert_element_type3A_192 = arith.extui %lt3A_191 : i1 to i32
        %cond3A_193 = arith.constant 0 : i32
        %cond3A_194 = arith.cmpi ne, %convert_element_type3A_192, %cond3A_193 : i32
        scf.if %cond3A_194 {
          %add3A_195 = arith.constant 4 : i32
          %add3A_196 = arith.addi %add3A_158, %add3A_195 : i32
          %dma_start3A_197 = arith.constant 2 : i32
          %dma_start3A_198 = arith.constant 2 : i32
          %dma_start3A_199 = arith.constant 0 : i32
          %dma_start3A_200 = arith.constant 0 : i32
          %dma_start3A_201 = tpu.memref_slice %arg8[%dma_start3A_197, %dma_start3A_199, %dma_start3A_200] : memref<4x128x72xf32, #tpu.memory_space<vmem>> -> memref<1x128x72xf32, #tpu.memory_space<vmem>>
          %dma_start3A_202 = tpu.memref_squeeze %dma_start3A_201 : memref<1x128x72xf32, #tpu.memory_space<vmem>> -> memref<128x72xf32, #tpu.memory_space<vmem>>
          %dma_start3A_203 = arith.constant 0 : i32
          %dma_start3A_204 = tpu.memref_slice %arg6[%add3A_196, %dma_start3A_203] : memref<157x128xi32, #tpu.memory_space<vmem>> -> memref<1x128xi32, #tpu.memory_space<vmem>>
          %dma_start3A_205 = tpu.memref_squeeze %dma_start3A_204 : memref<1x128xi32, #tpu.memory_space<vmem>> -> memref<128xi32, #tpu.memory_space<vmem>>
          %dma_start3A_206 = arith.constant 0 : i32
          %dma_start3A_207 = arith.constant 0 : i32
          %dma_start3A_208 = tpu.memref_slice %arg3[%arg0, %dma_start3A_206, %dma_start3A_207] : memref<2x10000x72xf32, #tpu.memory_space<hbm>> -> memref<1x10000x72xf32, #tpu.memory_space<hbm>>
          %dma_start3A_209 = tpu.memref_squeeze %dma_start3A_208 : memref<1x10000x72xf32, #tpu.memory_space<hbm>> -> memref<10000x72xf32, #tpu.memory_space<hbm>>
          %dma_start3A_210 = arith.constant 0 : i32
          %dma_start3A_211 = arith.constant 0 : i32
          %dma_start3A_212 = tpu.memref_slice %dma_start3A_209[%dma_start3A_210, %dma_start3A_211] : memref<10000x72xf32, #tpu.memory_space<hbm>> -> memref<10000x72xf32, #tpu.memory_space<hbm>>
          %dma_start3A_213 = tpu.memref_slice %arg10[%dma_start3A_198] : memref<4x!tpu.dma_semaphore, #tpu.memory_space<semaphore_mem>> -> memref<1x!tpu.dma_semaphore, #tpu.memory_space<semaphore_mem>>
          %dma_start3A_214 = tpu.memref_squeeze %dma_start3A_213 : memref<1x!tpu.dma_semaphore, #tpu.memory_space<semaphore_mem>> -> memref<!tpu.dma_semaphore, #tpu.memory_space<semaphore_mem>>
          tpu.enqueue_indirect_dma source(%dma_start3A_212 : memref<10000x72xf32, #tpu.memory_space<hbm>>) target(%dma_start3A_202 : memref<128x72xf32, #tpu.memory_space<vmem>>) offsets(%dma_start3A_205 : memref<128xi32, #tpu.memory_space<vmem>>) semaphore(%dma_start3A_214 : memref<!tpu.dma_semaphore, #tpu.memory_space<semaphore_mem>>)
        } else {
        }
      } else {
      }
      %mul3A_163 = arith.constant 4 : i32
      %mul3A_164 = arith.muli %scan3A_141, %mul3A_163 : i32
      %add3A_165 = arith.constant 3 : i32
      %add3A_166 = arith.addi %mul3A_164, %add3A_165 : i32
      %lt3A_167 = arith.cmpi slt, %add3A_166, %select_n3A : i32
      %convert_element_type3A_168 = arith.extui %lt3A_167 : i1 to i32
      %cond3A_169 = arith.constant 0 : i32
      %cond3A_170 = arith.cmpi ne, %convert_element_type3A_168, %cond3A_169 : i32
      scf.if %cond3A_170 {
        %dma_wait3A_171 = arith.constant 3 : i32
        %dma_wait3A_172 = arith.constant 3 : i32
        %dma_wait3A_173 = arith.constant 0 : i32
        %dma_wait3A_174 = arith.constant 0 : i32
        %dma_wait3A_175 = tpu.memref_slice %arg8[%dma_wait3A_171, %dma_wait3A_173, %dma_wait3A_174] : memref<4x128x72xf32, #tpu.memory_space<vmem>> -> memref<1x128x72xf32, #tpu.memory_space<vmem>>
        %dma_wait3A_176 = tpu.memref_squeeze %dma_wait3A_175 : memref<1x128x72xf32, #tpu.memory_space<vmem>> -> memref<128x72xf32, #tpu.memory_space<vmem>>
        %dma_wait3A_177 = arith.constant 0 : i32
        %dma_wait3A_178 = tpu.memref_slice %arg6[%add3A_166, %dma_wait3A_177] : memref<157x128xi32, #tpu.memory_space<vmem>> -> memref<1x128xi32, #tpu.memory_space<vmem>>
        %dma_wait3A_179 = tpu.memref_squeeze %dma_wait3A_178 : memref<1x128xi32, #tpu.memory_space<vmem>> -> memref<128xi32, #tpu.memory_space<vmem>>
        %dma_wait3A_180 = arith.constant 0 : i32
        %dma_wait3A_181 = arith.constant 0 : i32
        %dma_wait3A_182 = tpu.memref_slice %arg3[%arg0, %dma_wait3A_180, %dma_wait3A_181] : memref<2x10000x72xf32, #tpu.memory_space<hbm>> -> memref<1x10000x72xf32, #tpu.memory_space<hbm>>
        %dma_wait3A_183 = tpu.memref_squeeze %dma_wait3A_182 : memref<1x10000x72xf32, #tpu.memory_space<hbm>> -> memref<10000x72xf32, #tpu.memory_space<hbm>>
        %dma_wait3A_184 = arith.constant 0 : i32
        %dma_wait3A_185 = arith.constant 0 : i32
        %dma_wait3A_186 = tpu.memref_slice %dma_wait3A_183[%dma_wait3A_184, %dma_wait3A_185] : memref<10000x72xf32, #tpu.memory_space<hbm>> -> memref<10000x72xf32, #tpu.memory_space<hbm>>
        %dma_wait3A_187 = tpu.memref_slice %arg10[%dma_wait3A_172] : memref<4x!tpu.dma_semaphore, #tpu.memory_space<semaphore_mem>> -> memref<1x!tpu.dma_semaphore, #tpu.memory_space<semaphore_mem>>
        %dma_wait3A_188 = tpu.memref_squeeze %dma_wait3A_187 : memref<1x!tpu.dma_semaphore, #tpu.memory_space<semaphore_mem>> -> memref<!tpu.dma_semaphore, #tpu.memory_space<semaphore_mem>>
        tpu.wait_indirect_dma semaphore(%dma_wait3A_188 : memref<!tpu.dma_semaphore, #tpu.memory_space<semaphore_mem>>) src(%dma_wait3A_186 : memref<10000x72xf32, #tpu.memory_space<hbm>>) dst(%dma_wait3A_176 : memref<128x72xf32, #tpu.memory_space<vmem>>)
        %run_scoped3A = arith.constant 3 : i32
        "tpu.region"() ({
          %run_scoped3A_195 = tpu.sem_alloc : memref<!tpu.dma_semaphore, #tpu.memory_space<semaphore_mem>>
          %dma_start3A_196 = arith.constant 0 : i32
          %dma_start3A_197 = arith.constant 0 : i32
          %dma_start3A_198 = tpu.memref_slice %arg8[%run_scoped3A, %dma_start3A_196, %dma_start3A_197] : memref<4x128x72xf32, #tpu.memory_space<vmem>> -> memref<1x128x72xf32, #tpu.memory_space<vmem>>
          %dma_start3A_199 = tpu.memref_squeeze %dma_start3A_198 : memref<1x128x72xf32, #tpu.memory_space<vmem>> -> memref<128x72xf32, #tpu.memory_space<vmem>>
          %dma_start3A_200 = arith.constant 0 : i32
          %dma_start3A_201 = tpu.memref_slice %arg7[%add3A_166, %dma_start3A_200] : memref<157x128xi32, #tpu.memory_space<vmem>> -> memref<1x128xi32, #tpu.memory_space<vmem>>
          %dma_start3A_202 = tpu.memref_squeeze %dma_start3A_201 : memref<1x128xi32, #tpu.memory_space<vmem>> -> memref<128xi32, #tpu.memory_space<vmem>>
          %dma_start3A_203 = arith.constant 0 : i32
          %dma_start3A_204 = arith.constant 0 : i32
          %dma_start3A_205 = tpu.memref_slice %arg9[%dma_start3A_203, %dma_start3A_204] : memref<10000x72xf32, #tpu.memory_space<vmem_shared>> -> memref<10000x72xf32, #tpu.memory_space<vmem_shared>>
          tpu.enqueue_indirect_dma source(%dma_start3A_199 : memref<128x72xf32, #tpu.memory_space<vmem>>) target(%dma_start3A_205 : memref<10000x72xf32, #tpu.memory_space<vmem_shared>>) offsets(%dma_start3A_202 : memref<128xi32, #tpu.memory_space<vmem>>) semaphore(%run_scoped3A_195 : memref<!tpu.dma_semaphore, #tpu.memory_space<semaphore_mem>>) {add = true}
          %dma_wait3A_206 = arith.constant 0 : i32
          %dma_wait3A_207 = arith.constant 0 : i32
          %dma_wait3A_208 = tpu.memref_slice %arg8[%run_scoped3A, %dma_wait3A_206, %dma_wait3A_207] : memref<4x128x72xf32, #tpu.memory_space<vmem>> -> memref<1x128x72xf32, #tpu.memory_space<vmem>>
          %dma_wait3A_209 = tpu.memref_squeeze %dma_wait3A_208 : memref<1x128x72xf32, #tpu.memory_space<vmem>> -> memref<128x72xf32, #tpu.memory_space<vmem>>
          %dma_wait3A_210 = arith.constant 0 : i32
          %dma_wait3A_211 = tpu.memref_slice %arg7[%add3A_166, %dma_wait3A_210] : memref<157x128xi32, #tpu.memory_space<vmem>> -> memref<1x128xi32, #tpu.memory_space<vmem>>
          %dma_wait3A_212 = tpu.memref_squeeze %dma_wait3A_211 : memref<1x128xi32, #tpu.memory_space<vmem>> -> memref<128xi32, #tpu.memory_space<vmem>>
          %dma_wait3A_213 = arith.constant 0 : i32
          %dma_wait3A_214 = arith.constant 0 : i32
          %dma_wait3A_215 = tpu.memref_slice %arg9[%dma_wait3A_213, %dma_wait3A_214] : memref<10000x72xf32, #tpu.memory_space<vmem_shared>> -> memref<10000x72xf32, #tpu.memory_space<vmem_shared>>
          tpu.wait_indirect_dma semaphore(%run_scoped3A_195 : memref<!tpu.dma_semaphore, #tpu.memory_space<semaphore_mem>>) src(%dma_wait3A_209 : memref<128x72xf32, #tpu.memory_space<vmem>>) dst(%dma_wait3A_215 : memref<10000x72xf32, #tpu.memory_space<vmem_shared>>)
          tpu.yield
        }) : () -> ()
        %add3A_189 = arith.constant 4 : i32
        %add3A_190 = arith.addi %add3A_166, %add3A_189 : i32
        %lt3A_191 = arith.cmpi slt, %add3A_190, %select_n3A : i32
        %convert_element_type3A_192 = arith.extui %lt3A_191 : i1 to i32
        %cond3A_193 = arith.constant 0 : i32
        %cond3A_194 = arith.cmpi ne, %convert_element_type3A_192, %cond3A_193 : i32
        scf.if %cond3A_194 {
          %add3A_195 = arith.constant 4 : i32
          %add3A_196 = arith.addi %add3A_166, %add3A_195 : i32
          %dma_start3A_197 = arith.constant 3 : i32
          %dma_start3A_198 = arith.constant 3 : i32
          %dma_start3A_199 = arith.constant 0 : i32
          %dma_start3A_200 = arith.constant 0 : i32
          %dma_start3A_201 = tpu.memref_slice %arg8[%dma_start3A_197, %dma_start3A_199, %dma_start3A_200] : memref<4x128x72xf32, #tpu.memory_space<vmem>> -> memref<1x128x72xf32, #tpu.memory_space<vmem>>
          %dma_start3A_202 = tpu.memref_squeeze %dma_start3A_201 : memref<1x128x72xf32, #tpu.memory_space<vmem>> -> memref<128x72xf32, #tpu.memory_space<vmem>>
          %dma_start3A_203 = arith.constant 0 : i32
          %dma_start3A_204 = tpu.memref_slice %arg6[%add3A_196, %dma_start3A_203] : memref<157x128xi32, #tpu.memory_space<vmem>> -> memref<1x128xi32, #tpu.memory_space<vmem>>
          %dma_start3A_205 = tpu.memref_squeeze %dma_start3A_204 : memref<1x128xi32, #tpu.memory_space<vmem>> -> memref<128xi32, #tpu.memory_space<vmem>>
          %dma_start3A_206 = arith.constant 0 : i32
          %dma_start3A_207 = arith.constant 0 : i32
          %dma_start3A_208 = tpu.memref_slice %arg3[%arg0, %dma_start3A_206, %dma_start3A_207] : memref<2x10000x72xf32, #tpu.memory_space<hbm>> -> memref<1x10000x72xf32, #tpu.memory_space<hbm>>
          %dma_start3A_209 = tpu.memref_squeeze %dma_start3A_208 : memref<1x10000x72xf32, #tpu.memory_space<hbm>> -> memref<10000x72xf32, #tpu.memory_space<hbm>>
          %dma_start3A_210 = arith.constant 0 : i32
          %dma_start3A_211 = arith.constant 0 : i32
          %dma_start3A_212 = tpu.memref_slice %dma_start3A_209[%dma_start3A_210, %dma_start3A_211] : memref<10000x72xf32, #tpu.memory_space<hbm>> -> memref<10000x72xf32, #tpu.memory_space<hbm>>
          %dma_start3A_213 = tpu.memref_slice %arg10[%dma_start3A_198] : memref<4x!tpu.dma_semaphore, #tpu.memory_space<semaphore_mem>> -> memref<1x!tpu.dma_semaphore, #tpu.memory_space<semaphore_mem>>
          %dma_start3A_214 = tpu.memref_squeeze %dma_start3A_213 : memref<1x!tpu.dma_semaphore, #tpu.memory_space<semaphore_mem>> -> memref<!tpu.dma_semaphore, #tpu.memory_space<semaphore_mem>>
          tpu.enqueue_indirect_dma source(%dma_start3A_212 : memref<10000x72xf32, #tpu.memory_space<hbm>>) target(%dma_start3A_202 : memref<128x72xf32, #tpu.memory_space<vmem>>) offsets(%dma_start3A_205 : memref<128xi32, #tpu.memory_space<vmem>>) semaphore(%dma_start3A_214 : memref<!tpu.dma_semaphore, #tpu.memory_space<semaphore_mem>>)
        } else {
        }
      } else {
      }
    }
    %scan3A_135 = arith.constant 40 : i32
    %barrier3A_136 = arith.constant 0 : index
    tpu.barrier barrier_id(%barrier3A_136)
    %mul3A_137 = arith.constant 625 : i32
    %mul3A_138 = arith.muli %arg1, %mul3A_137 : i32
    %mul3A_139 = arith.constant 625 : i32
    %mul3A_140 = arith.muli %arg1, %mul3A_139 : i32
    "tpu.region"() ({
      %run_scoped3A = tpu.sem_alloc : memref<!tpu.dma_semaphore, #tpu.memory_space<semaphore_mem>>
      %dma_start3A_141 = arith.constant 0 : i32
      %dma_start3A_142 = tpu.memref_slice %arg5[%arg0, %mul3A_140, %dma_start3A_141] : memref<2x10000x72xf32, #tpu.memory_space<hbm>> -> memref<1x625x72xf32, #tpu.memory_space<hbm>>
      %dma_start3A_143 = tpu.memref_squeeze %dma_start3A_142 : memref<1x625x72xf32, #tpu.memory_space<hbm>> -> memref<625x72xf32, #tpu.memory_space<hbm>>
      %dma_start3A_144 = arith.constant 0 : i32
      %dma_start3A_145 = tpu.memref_slice %arg9[%mul3A_138, %dma_start3A_144] : memref<10000x72xf32, #tpu.memory_space<vmem_shared>> -> memref<625x72xf32, #tpu.memory_space<vmem_shared>>
      tpu.enqueue_dma source(%dma_start3A_145 : memref<625x72xf32, #tpu.memory_space<vmem_shared>>) target(%dma_start3A_143 : memref<625x72xf32, #tpu.memory_space<hbm>>) target_semaphore(%run_scoped3A : memref<!tpu.dma_semaphore, #tpu.memory_space<semaphore_mem>>)
      %dma_wait3A_146 = arith.constant 0 : i32
      %dma_wait3A_147 = tpu.memref_slice %arg5[%arg0, %mul3A_140, %dma_wait3A_146] : memref<2x10000x72xf32, #tpu.memory_space<hbm>> -> memref<1x625x72xf32, #tpu.memory_space<hbm>>
      %dma_wait3A_148 = tpu.memref_squeeze %dma_wait3A_147 : memref<1x625x72xf32, #tpu.memory_space<hbm>> -> memref<625x72xf32, #tpu.memory_space<hbm>>
      %dma_wait3A_149 = arith.constant 0 : i32
      %dma_wait3A_150 = tpu.memref_slice %arg9[%mul3A_138, %dma_wait3A_149] : memref<10000x72xf32, #tpu.memory_space<vmem_shared>> -> memref<625x72xf32, #tpu.memory_space<vmem_shared>>
      tpu.wait_dma2 semaphore(%run_scoped3A : memref<!tpu.dma_semaphore, #tpu.memory_space<semaphore_mem>>) src(%dma_wait3A_150 : memref<625x72xf32, #tpu.memory_space<vmem_shared>>) dst(%dma_wait3A_148 : memref<625x72xf32, #tpu.memory_space<hbm>>)
      tpu.yield
    }) : () -> ()
    return
  }
}

module attributes {stable_mosaic.version = 14 : i64} {
  func.func @_k1_body(%arg0: memref<10000x128xf32, #tpu.memory_space<vmem>>, %arg1: memref<128x72xf32, #tpu.memory_space<vmem>>, %arg2: memref<128x72xf32, #tpu.memory_space<vmem>>, %arg3: memref<2x10000x72xf32, #tpu.memory_space<vmem>>) attributes {dimension_semantics = [], scalar_prefetch = 0 : i64, scratch_operands = 0 : i64, tpu.core_type = #tpu.core_type<tc>} {
    %iota3A = tpu.iota {dimensions = array<i32: 1>} : vector<10000x72xi32>
    %get3A = arith.constant 0 : index
    %get3A_0 = arith.constant 0 : index
    %get3A_1 = vector.load %arg0[%get3A, %get3A_0] : memref<10000x128xf32, #tpu.memory_space<vmem>>, vector<10000x128xf32>
    %get3A_2 = arith.constant 0 : index
    %get3A_3 = arith.constant 0 : index
    %get3A_4 = vector.load %arg1[%get3A_2, %get3A_3] : memref<128x72xf32, #tpu.memory_space<vmem>>, vector<128x72xf32>
    %dot_general3A = arith.constant dense<0.000000e+00> : vector<10000x72xf32>
    %dot_general3A_5 = tpu.matmul %get3A_1, %get3A_4, %dot_general3A {dimension_numbers = #tpu.dot_dimension_numbers<[1], [0], [0], [1], [0, 0, 1, 1], [], []>, transpose_lhs_hint = false} : vector<10000x128xf32>, vector<128x72xf32>, vector<10000x72xf32> -> vector<10000x72xf32>
    %eq3A = arith.constant 64 : i32
    %eq3A_6 = vector.broadcast %eq3A : i32 to vector<10000x72xi32>
    %eq3A_7 = arith.cmpi eq, %iota3A, %eq3A_6 : vector<10000x72xi32>
    %jit3A = arith.constant 1.000000e+00 : f32
    %jit3A_8 = arith.constant 0.000000e+00 : f32
    %broadcast_in_dim3A = vector.broadcast %jit3A : f32 to vector<10000x72xf32>
    %broadcast_in_dim3A_9 = vector.broadcast %jit3A_8 : f32 to vector<10000x72xf32>
    %select_n3A = arith.select %eq3A_7, %broadcast_in_dim3A, %broadcast_in_dim3A_9 : vector<10000x72xi1>, vector<10000x72xf32>
    %add3A = arith.addf %dot_general3A_5, %select_n3A : vector<10000x72xf32>
    %swap3A = arith.constant 0 : index
    %swap3A_10 = arith.constant 0 : index
    %swap3A_11 = arith.constant 0 : index
    %swap3A_12 = vector.load %arg3[%swap3A, %swap3A_10, %swap3A_11] : memref<2x10000x72xf32, #tpu.memory_space<vmem>>, vector<1x10000x72xf32>
    %swap3A_13 = vector.shape_cast %swap3A_12 : vector<1x10000x72xf32> to vector<10000x72xf32>
    %swap3A_14 = vector.shape_cast %add3A : vector<10000x72xf32> to vector<1x10000x72xf32>
    tpu.vector_store %arg3[%swap3A, %swap3A_10, %swap3A_11], %swap3A_14 {strides = array<i32>} : memref<2x10000x72xf32, #tpu.memory_space<vmem>>, vector<1x10000x72xf32>,
    %get3A_15 = arith.constant 0 : index
    %get3A_16 = arith.constant 0 : index
    %get3A_17 = vector.load %arg0[%get3A_15, %get3A_16] : memref<10000x128xf32, #tpu.memory_space<vmem>>, vector<10000x128xf32>
    %get3A_18 = arith.constant 0 : index
    %get3A_19 = arith.constant 0 : index
    %get3A_20 = vector.load %arg2[%get3A_18, %get3A_19] : memref<128x72xf32, #tpu.memory_space<vmem>>, vector<128x72xf32>
    %dot_general3A_21 = arith.constant dense<0.000000e+00> : vector<10000x72xf32>
    %dot_general3A_22 = tpu.matmul %get3A_17, %get3A_20, %dot_general3A_21 {dimension_numbers = #tpu.dot_dimension_numbers<[1], [0], [0], [1], [0, 0, 1, 1], [], []>, transpose_lhs_hint = false} : vector<10000x128xf32>, vector<128x72xf32>, vector<10000x72xf32> -> vector<10000x72xf32>
    %swap3A_23 = arith.constant 1 : index
    %swap3A_24 = arith.constant 0 : index
    %swap3A_25 = arith.constant 0 : index
    %swap3A_26 = vector.load %arg3[%swap3A_23, %swap3A_24, %swap3A_25] : memref<2x10000x72xf32, #tpu.memory_space<vmem>>, vector<1x10000x72xf32>
    %swap3A_27 = vector.shape_cast %swap3A_26 : vector<1x10000x72xf32> to vector<10000x72xf32>
    %swap3A_28 = vector.shape_cast %dot_general3A_22 : vector<10000x72xf32> to vector<1x10000x72xf32>
    tpu.vector_store %arg3[%swap3A_23, %swap3A_24, %swap3A_25], %swap3A_28 {strides = array<i32>} : memref<2x10000x72xf32, #tpu.memory_space<vmem>>, vector<1x10000x72xf32>,
    return
  }
}

module attributes {stable_mosaic.version = 14 : i64} {
  func.func @_k2_body(%arg0: memref<10000x128xf32, #tpu.memory_space<vmem>>, %arg1: memref<128x128xf32, #tpu.memory_space<vmem>>, %arg2: memref<1x128xf32, #tpu.memory_space<vmem>>, %arg3: memref<2x10000x72xf32, #tpu.memory_space<vmem>>, %arg4: memref<128x48xf32, #tpu.memory_space<vmem>>, %arg5: memref<128x40xf32, #tpu.memory_space<vmem>>, %arg6: memref<1x40xf32, #tpu.memory_space<vmem>>, %arg7: memref<10000x48xf32, #tpu.memory_space<vmem>>, %arg8: memref<10000x40xf32, #tpu.memory_space<vmem>>) attributes {dimension_semantics = [], scalar_prefetch = 0 : i64, scratch_operands = 0 : i64, tpu.core_type = #tpu.core_type<tc>} {
    %get3A = arith.constant 0 : index
    %get3A_0 = arith.constant 0 : index
    %get3A_1 = arith.constant 64 : index
    %get3A_2 = vector.load %arg3[%get3A, %get3A_0, %get3A_1] : memref<2x10000x72xf32, #tpu.memory_space<vmem>>, vector<1x10000x1xf32>
    %get3A_3 = vector.shape_cast %get3A_2 : vector<1x10000x1xf32> to vector<10000x1xf32>
    %max3A = arith.constant 1.000000e+00 : f32
    %max3A_4 = vector.broadcast %max3A : f32 to vector<10000x1xf32>
    %max3A_5 = arith.maximumf %get3A_3, %max3A_4 : vector<10000x1xf32>
    %get3A_6 = arith.constant 0 : index
    %get3A_7 = arith.constant 0 : index
    %get3A_8 = arith.constant 0 : index
    %get3A_9 = vector.load %arg3[%get3A_6, %get3A_7, %get3A_8] : memref<2x10000x72xf32, #tpu.memory_space<vmem>>, vector<1x10000x64xf32>
    %get3A_10 = vector.shape_cast %get3A_9 : vector<1x10000x64xf32> to vector<10000x64xf32>
    %get3A_11 = arith.constant 1 : index
    %get3A_12 = arith.constant 0 : index
    %get3A_13 = arith.constant 0 : index
    %get3A_14 = vector.load %arg3[%get3A_11, %get3A_12, %get3A_13] : memref<2x10000x72xf32, #tpu.memory_space<vmem>>, vector<1x10000x64xf32>
    %get3A_15 = vector.shape_cast %get3A_14 : vector<1x10000x64xf32> to vector<10000x64xf32>
    %concatenate3A = tpu.concatenate %get3A_10, %get3A_15 in 1 : vector<10000x64xf32>, vector<10000x64xf32> -> vector<10000x128xf32>
    %get3A_16 = arith.constant 0 : index
    %get3A_17 = arith.constant 0 : index
    %get3A_18 = vector.load %arg0[%get3A_16, %get3A_17] : memref<10000x128xf32, #tpu.memory_space<vmem>>, vector<10000x128xf32>
    %get3A_19 = arith.constant 0 : index
    %get3A_20 = arith.constant 0 : index
    %get3A_21 = vector.load %arg1[%get3A_19, %get3A_20] : memref<128x128xf32, #tpu.memory_space<vmem>>, vector<128x128xf32>
    %dot_general3A = arith.constant dense<0.000000e+00> : vector<10000x128xf32>
    %dot_general3A_22 = tpu.matmul %get3A_18, %get3A_21, %dot_general3A {dimension_numbers = #tpu.dot_dimension_numbers<[1], [0], [0], [1], [0, 0, 1, 1], [], []>, transpose_lhs_hint = false} : vector<10000x128xf32>, vector<128x128xf32>, vector<10000x128xf32> -> vector<10000x128xf32>
    %div3A = vector.broadcast %max3A_5 : vector<10000x1xf32> to vector<10000x128xf32>
    %div3A_23 = arith.divf %concatenate3A, %div3A : vector<10000x128xf32>
    %add3A = arith.addf %dot_general3A_22, %div3A_23 : vector<10000x128xf32>
    %get3A_24 = arith.constant 0 : index
    %get3A_25 = arith.constant 0 : index
    %get3A_26 = vector.load %arg2[%get3A_24, %get3A_25] : memref<1x128xf32, #tpu.memory_space<vmem>>, vector<1x128xf32>
    %add3A_27 = vector.broadcast %get3A_26 : vector<1x128xf32> to vector<10000x128xf32>
    %add3A_28 = arith.addf %add3A, %add3A_27 : vector<10000x128xf32>
    %max3A_29 = arith.constant 0.000000e+00 : f32
    %max3A_30 = vector.broadcast %max3A_29 : f32 to vector<10000x128xf32>
    %max3A_31 = arith.maximumf %add3A_28, %max3A_30 : vector<10000x128xf32>
    %iota3A = tpu.iota {dimensions = array<i32: 1>} : vector<10000x48xi32>
    %get3A_32 = arith.constant 0 : index
    %get3A_33 = arith.constant 0 : index
    %get3A_34 = vector.load %arg4[%get3A_32, %get3A_33] : memref<128x48xf32, #tpu.memory_space<vmem>>, vector<128x48xf32>
    %dot_general3A_35 = arith.constant dense<0.000000e+00> : vector<10000x48xf32>
    %dot_general3A_36 = tpu.matmul %max3A_31, %get3A_34, %dot_general3A_35 {dimension_numbers = #tpu.dot_dimension_numbers<[1], [0], [0], [1], [0, 0, 1, 1], [], []>, transpose_lhs_hint = false} : vector<10000x128xf32>, vector<128x48xf32>, vector<10000x48xf32> -> vector<10000x48xf32>
    %eq3A = arith.constant 40 : i32
    %eq3A_37 = vector.broadcast %eq3A : i32 to vector<10000x48xi32>
    %eq3A_38 = arith.cmpi eq, %iota3A, %eq3A_37 : vector<10000x48xi32>
    %jit3A = arith.constant 1.000000e+00 : f32
    %jit3A_39 = arith.constant 0.000000e+00 : f32
    %broadcast_in_dim3A = vector.broadcast %jit3A : f32 to vector<10000x48xf32>
    %broadcast_in_dim3A_40 = vector.broadcast %jit3A_39 : f32 to vector<10000x48xf32>
    %select_n3A = arith.select %eq3A_38, %broadcast_in_dim3A, %broadcast_in_dim3A_40 : vector<10000x48xi1>, vector<10000x48xf32>
    %add3A_41 = arith.addf %dot_general3A_36, %select_n3A : vector<10000x48xf32>
    %swap3A = arith.constant 0 : index
    %swap3A_42 = arith.constant 0 : index
    %swap3A_43 = vector.load %arg7[%swap3A, %swap3A_42] : memref<10000x48xf32, #tpu.memory_space<vmem>>, vector<10000x48xf32>
    tpu.vector_store %arg7[%swap3A, %swap3A_42], %add3A_41 {strides = array<i32>} : memref<10000x48xf32, #tpu.memory_space<vmem>>, vector<10000x48xf32>,
    %get3A_44 = arith.constant 0 : index
    %get3A_45 = arith.constant 0 : index
    %get3A_46 = vector.load %arg5[%get3A_44, %get3A_45] : memref<128x40xf32, #tpu.memory_space<vmem>>, vector<128x40xf32>
    %dot_general3A_47 = arith.constant dense<0.000000e+00> : vector<10000x40xf32>
    %dot_general3A_48 = tpu.matmul %max3A_31, %get3A_46, %dot_general3A_47 {dimension_numbers = #tpu.dot_dimension_numbers<[1], [0], [0], [1], [0, 0, 1, 1], [], []>, transpose_lhs_hint = false} : vector<10000x128xf32>, vector<128x40xf32>, vector<10000x40xf32> -> vector<10000x40xf32>
    %get3A_49 = arith.constant 0 : index
    %get3A_50 = arith.constant 0 : index
    %get3A_51 = vector.load %arg6[%get3A_49, %get3A_50] : memref<1x40xf32, #tpu.memory_space<vmem>>, vector<1x40xf32>
    %add3A_52 = vector.broadcast %get3A_51 : vector<1x40xf32> to vector<10000x40xf32>
    %add3A_53 = arith.addf %dot_general3A_48, %add3A_52 : vector<10000x40xf32>
    %swap3A_54 = arith.constant 0 : index
    %swap3A_55 = arith.constant 0 : index
    %swap3A_56 = vector.load %arg8[%swap3A_54, %swap3A_55] : memref<10000x40xf32, #tpu.memory_space<vmem>>, vector<10000x40xf32>
    tpu.vector_store %arg8[%swap3A_54, %swap3A_55], %add3A_53 {strides = array<i32>} : memref<10000x40xf32, #tpu.memory_space<vmem>>, vector<10000x40xf32>,
    return
  }
}

module attributes {stable_mosaic.version = 14 : i64} {
  func.func @_k3_body(%arg0: memref<10000x40xf32, #tpu.memory_space<vmem>>, %arg1: memref<2x10000x48xf32, #tpu.memory_space<vmem>>, %arg2: memref<10000x40xf32, #tpu.memory_space<vmem>>) attributes {dimension_semantics = [], scalar_prefetch = 0 : i64, scratch_operands = 0 : i64, tpu.core_type = #tpu.core_type<tc>} {
    %get3A = arith.constant 0 : index
    %get3A_0 = arith.constant 0 : index
    %get3A_1 = arith.constant 0 : index
    %get3A_2 = vector.load %arg1[%get3A, %get3A_0, %get3A_1] : memref<2x10000x48xf32, #tpu.memory_space<vmem>>, vector<1x10000x48xf32>
    %get3A_3 = vector.shape_cast %get3A_2 : vector<1x10000x48xf32> to vector<10000x48xf32>
    %get3A_4 = arith.constant 1 : index
    %get3A_5 = arith.constant 0 : index
    %get3A_6 = arith.constant 0 : index
    %get3A_7 = vector.load %arg1[%get3A_4, %get3A_5, %get3A_6] : memref<2x10000x48xf32, #tpu.memory_space<vmem>>, vector<1x10000x48xf32>
    %get3A_8 = vector.shape_cast %get3A_7 : vector<1x10000x48xf32> to vector<10000x48xf32>
    %add3A = arith.addf %get3A_3, %get3A_8 : vector<10000x48xf32>
    %slice3A = vector.extract_strided_slice %add3A {offsets = [0, 40], sizes = [10000, 1], strides = [1, 1]} : vector<10000x48xf32> to vector<10000x1xf32>
    %max3A = arith.constant 1.000000e+00 : f32
    %max3A_9 = vector.broadcast %max3A : f32 to vector<10000x1xf32>
    %max3A_10 = arith.maximumf %slice3A, %max3A_9 : vector<10000x1xf32>
    %get3A_11 = arith.constant 0 : index
    %get3A_12 = arith.constant 0 : index
    %get3A_13 = vector.load %arg0[%get3A_11, %get3A_12] : memref<10000x40xf32, #tpu.memory_space<vmem>>, vector<10000x40xf32>
    %slice3A_14 = vector.extract_strided_slice %add3A {offsets = [0, 0], sizes = [10000, 40], strides = [1, 1]} : vector<10000x48xf32> to vector<10000x40xf32>
    %div3A = vector.broadcast %max3A_10 : vector<10000x1xf32> to vector<10000x40xf32>
    %div3A_15 = arith.divf %slice3A_14, %div3A : vector<10000x40xf32>
    %add3A_16 = arith.addf %get3A_13, %div3A_15 : vector<10000x40xf32>
    %swap3A = arith.constant 0 : index
    %swap3A_17 = arith.constant 0 : index
    %swap3A_18 = vector.load %arg2[%swap3A, %swap3A_17] : memref<10000x40xf32, #tpu.memory_space<vmem>>, vector<10000x40xf32>
    tpu.vector_store %arg2[%swap3A, %swap3A_17], %add3A_16 {strides = array<i32>} : memref<10000x40xf32, #tpu.memory_space<vmem>>, vector<10000x40xf32>,
    return
  }
}

</mosaic_0001>

<sc_bundles>
// kernel: kernel.10.cloned.1.call-start
scs
__scs_entry_jumppad:
0x0: {  	(pc) =	sbr.rel $0x88, $3  }
0x1: {  	(tag) =	ssettag $0x0;
	lr =	simm.s32 $0x1  }
0x2: {  	[smem:$0x3F99] =	sst lr;
	_ =	strace $0xD0000000  }
0x3: {  	_ = 	snop  }
0x4: {  	_ = 	snop  }
0x5: {  	_ = 	snop  }
0x6: {  	_ = 	snop  }
0x7: {  	_ = 	snop  }
__scs_overlays_trampoline_lowered:
0x8: {  	[smem:$0x3FA8] =	sst s0  }
0x9: {  	[smem:$0x3FA9] =	sst s1  }
0xa: {  	[smem:$0x3FAA] =	sst s2  }
0xb: {  	[smem:$0x3FAB] =	sst s3  }
0xc: {  	[smem:$0x3FAC] =	sst s4  }
0xd: {  	[smem:$0x3FAD] =	sst s5  }
0xe: {  	[smem:$0x3FAE] =	sst s6  }
0xf: {  	[smem:$0x3FAF] =	sst s7  }
0x10: {  	[smem:$0x3FB0] =	sst s8  }
0x11: {  	[smem:$0x3FB1] =	sst s9;
	s0 =	simm.s32 @!p0 $0x0  }
0x12: {  	s1 =	sld [smem:$0x3F97];
	s0 =	simm.s32 @p0 $0x1  }
0x13: {  	[smem:$0x3FB2] =	sst s0;
	s0 =	simm.s32 @!p1 $0x0  }
0x14: {  	s2 =	sld [smem:$0x3F96];
	s0 =	simm.s32 @p1 $0x1  }
0x15: {  	[smem:$0x3FB3] =	sst s0;
	s0 =	simm.s32 @!p2 $0x0  }
0x16: {  	s3 =	sld [smem:$0x3FDB];
	s0 =	simm.s32 @p2 $0x1  }
0x17: {  	s4 =	simm.s32 $0x1BF5;
	[smem:$0x3FB5] =	sst s0  }
0x18: {  	s0 =	sld [smem:$0x3F98];
	_ =	swait.ge [sflag:s4], $0x0  }
0x19: {  	s7 =	sld [smem:$0x3F99]  }
0x1a: {  	s8 =	sadd.s32 $0xFFFFE003, lr  }
0x1b: {  	s9 =	sadd.s32 $0xFFFFFEF7, lr;
	s5 =	simm.s32 $0xFFFFFFFF;
	p2 =	slt.u32 s8, $0xFFFFF086  }
0x1c: {  	p1 =	slt.u32 s9, $0xF7A;
	s5 =	simm.s32 @!p2 $0x0  }
0x1d: {  	s5 =	simm.s32 @p1 $0x1;
	p0 =	seq.s32 s7, s2  }
0x1e: {  	s7 =	smul.u32 @!p0 $0xF7A, s2;
	p2 =	seq.s32 @!p0 s5, $0x0  }
0x1f: {  	s9 =	smul.u32 $0xF7A, s1;
	s8 =	simm.s32 @!p0 $0x1BF5;
	p2 =	por !p2, p0  }
0x20: {  	[sflag:s8] =	ssyncset.s32 @!p0 $0xFFFFF086;
	s6 =	sadd.s32 @!p0 s3, s7;
	s7 =	simm.s32 @!p0 $0x108  }
0x21: {  	s3 =	sadd.s32 s3, s9;
	s6 =	sadd.s32 @!p0 $0x88, s6;
	s7 =	simm.s32 @p2 $0x1082  }
0x22: {  	[simem:s7], [sflag:s8] =	dma.local @!p0 [hbm:s6], $0xF7A  }
0x23: {  	s9 =	sor.u32 $0xD0000000, s2;
	s6 =	simm.s32 $0x108;
	_ =	swait.ge @!p0 [sflag:s8], $0x0  }
0x24: {  	s3 =	sadd.s32 $0x88, s3;
	s6 =	simm.s32 @!p1 $0x1082;
	[sflag:s4] =	ssyncset.s32 $0xFFFFF086  }
0x25: {  	[simem:s6], [sflag:s4] =	dma.local [hbm:s3], $0xF7A  }
0x26: {  	[smem:$0x3F99] =	sst s1;
	(tag) =	ssettag s2;
	_ =	strace s9  }
0x27: {  	s1 =	sld [smem:$0x3FA9]  }
0x28: {  	s2 =	sld [smem:$0x3FAA]  }
0x29: {  	s4 =	sld [smem:$0x3FAC]  }
0x2a: {  	p0 =	seq.s32 s5, $0x0;
	s5 =	sld [smem:$0x3FAD]  }
0x2b: {  	s6 =	sld [smem:$0x3FAE]  }
0x2c: {  	s7 =	sld [smem:$0x3FAF]  }
0x2d: {  	s3 =	simm.s32 $0x108;
	s8 =	sld [smem:$0x3FB0]  }
0x2e: {  	s3 =	simm.s32 @!p0 $0x1082;
	s9 =	sld [smem:$0x3FB1]  }
0x2f: {  	lr =	sadd.s32 s0, s3;
	s0 =	sld [smem:$0x3FA8]  }
0x30: {  	s3 =	sld [smem:$0x3FAB]  }
0x31: {  	[smem:$0x3FB4] =	sst s10  }
0x32: {  	s10 =	sld [smem:$0x3FB2];
	_ =	sdelay $0x3  }
0x33: {  	p0 =	seq.s32 s10, $0x1;
	s10 =	sld [smem:$0x3FB4];
	_ =	sdelay $0x3  }
0x34: {  	[smem:$0x3FB4] =	sst s10  }
0x35: {  	s10 =	sld [smem:$0x3FB3];
	_ =	sdelay $0x3  }
0x36: {  	p1 =	seq.s32 s10, $0x1;
	s10 =	sld [smem:$0x3FB4];
	_ =	sdelay $0x3  }
0x37: {  	[smem:$0x3FB4] =	sst s10  }
0x38: {  	s10 =	sld [smem:$0x3FB5]  }
0x39: {  	_ = 	snop;
	(pc) =	sbr.ind lr, $3  }
0x3a: {  	_ = 	snop  }
0x3b: {  	_ = 	snop  }
0x3c: {  	p2 =	seq.s32 s10, $0x1;
	s10 =	sld [smem:$0x3FB4]  }
0x3d: {  	_ =	shalt  }
0x3e: {  	_ =	shalt  }
0x3f: {  	_ =	shalt  }
0x40: {  	_ =	shalt  }
0x41: {  	_ =	shalt  }
0x42: {  	_ =	shalt  }
0x43: {  	_ =	shalt  }
0x44: {  	_ =	shalt  }
0x45: {  	_ =	shalt  }
0x46: {  	_ =	shalt  }
0x47: {  	_ =	shalt  }
0x48: {  	_ =	shalt  }
0x49: {  	_ =	shalt  }
0x4a: {  	_ =	shalt  }
0x4b: {  	_ =	shalt  }
0x4c: {  	_ =	shalt  }
0x4d: {  	_ =	shalt  }
0x4e: {  	_ =	shalt  }
0x4f: {  	_ =	shalt  }
0x50: {  	_ =	shalt  }
0x51: {  	_ =	shalt  }
0x52: {  	_ =	shalt  }
0x53: {  	_ =	shalt  }
0x54: {  	_ =	shalt  }
0x55: {  	_ =	shalt  }
0x56: {  	_ =	shalt  }
0x57: {  	_ =	shalt  }
0x58: {  	_ =	shalt  }
0x59: {  	_ =	shalt  }
0x5a: {  	_ =	shalt  }
0x5b: {  	_ =	shalt  }
0x5c: {  	_ =	shalt  }
0x5d: {  	_ =	shalt  }
0x5e: {  	_ =	shalt  }
0x5f: {  	_ =	shalt  }
0x60: {  	_ =	shalt  }
0x61: {  	_ =	shalt  }
0x62: {  	_ =	shalt  }
0x63: {  	_ =	shalt  }
0x64: {  	_ =	shalt  }
0x65: {  	_ =	shalt  }
0x66: {  	_ =	shalt  }
0x67: {  	_ =	shalt  }
0x68: {  	_ =	shalt  }
0x69: {  	_ =	shalt  }
0x6a: {  	_ =	shalt  }
0x6b: {  	_ =	shalt  }
0x6c: {  	_ =	shalt  }
0x6d: {  	_ =	shalt  }
0x6e: {  	_ =	shalt  }
0x6f: {  	_ =	shalt  }
0x70: {  	_ =	shalt  }
0x71: {  	_ =	shalt  }
0x72: {  	_ =	shalt  }
0x73: {  	_ =	shalt  }
0x74: {  	_ =	shalt  }
0x75: {  	_ =	shalt  }
0x76: {  	_ =	shalt  }
0x77: {  	_ =	shalt  }
0x78: {  	_ =	shalt  }
0x79: {  	_ =	shalt  }
0x7a: {  	_ =	shalt  }
0x7b: {  	_ =	shalt  }
0x7c: {  	_ =	shalt  }
0x7d: {  	_ =	shalt  }
0x7e: {  	_ =	shalt  }
0x7f: {  	_ =	shalt  }
0x80: {  	_ =	shalt  }
0x81: {  	_ =	shalt  }
0x82: {  	_ =	shalt  }
0x83: {  	_ =	shalt  }
0x84: {  	_ =	shalt  }
0x85: {  	_ =	shalt  }
0x86: {  	_ =	shalt  }
0x87: {  	_ =	shalt  }
.Lfunc_end0:
.L_simem_size_0:
called_computation.1_lowered:
.L_overlay_start_0:
0x88: {  	s2 =	sld [smem:$0x3FD9]  }
0x89: {  	s3 =	sld [smem:$0x3FFE];
	_ =	sdelay $0x1  }
0x8a: {  	s1 =	srdreg.scid  }
0x8b: {  	s0 =	sand.u32 $0x1, s1  }
0x8c: {  	s17 =	sshll.u32 s0, $0xA;
	s2 =	sadd.s32 s3, s2  }
0x8d: {  	s2 =	sadd.s32 s2, s17  }
0x8e: {  	[smem:$0x3FC0] =	sst s2  }
0x8f: {  	_ = 	snop  }
0x90: {  	s2 =	sld [smem:$0x3FD0];
	(tm) =	ssettm $0x1  }
0x91: {  	s18 =	sld [smem:$0x3FFB];
	_ =	sdelay $0x3  }
0x92: {  	_ =	strace s18  }
0x93: {  	s3 =	sld [smem:$0x3FFC];
	_ =	sdelay $0x3  }
0x94: {  	_ =	strace s3  }
0x95: {  	s3 =	sld [smem:$0x3FFD];
	_ =	sdelay $0x3  }
0x96: {  	_ =	strace s3  }
0x97: {  	_ =	strace $0x8FFFFFFF  }
0x98: {  	s19 =	sld [smem:$0x3FDB];
	_ =	sdelay $0x1  }
0x99: {  	s4 =	simm.s32 $_scs_section_size  }
0x9a: {  	s5 =	simm.s32 $_size__tile_overlayer_lowered;
	s6 =	simm.s32 $_tile_overlayer_lowered  }
0x9b: {  	s22 =	simm.s32 $0x1BFF;
	s21 =	sshll.u32 s6, $0x1;
	s3 =	sadd.s32 s4, s19  }
0x9c: {  	s7 =	simm.s32 $0x0;
	s20 =	sshll.u32 s5, $0x1;
	s5 =	sadd.s32 s21, s3  }
0x9d: {  	[timem:s7], [sflag:s22] =	dma.local [hbm:s5], s20  }
0x9e: {  	_ =	swait.ge [sflag:s22], s20  }
0x9f: {  	s4 =	ssub.s32 $0x0, s20;
	[sflag:s22] =	ssyncset.done $0x0  }
0xa0: {  	[sflag:s22] =	ssyncadd.s32 s4;
	_ =	sdelay $0x1  }
0xa1: {  	s23 =	simm.s32 $0x1B8B  }
0xa2: {  	_ =	swait.ge [sflag:s23], $0x1  }
0xa3: {  	[sflag:s23] =	ssyncset.done $0x0  }
0xa4: {  	s25 =	simm.s32 $0x1B8E;
	s24 =	sld [smem:$0x3FFE];
	[sflag:s23] =	ssyncadd.s32 $0xFFFFFFFF  }
0xa5: {  	s26 =	simm.s32 $execute0_lowered;
	[smem:$0x3FD2] =	sst s25  }
0xa6: {  	s5 =	sshll.u32 s26, $0x1;
	_ =	strace $0x80000049;
	[dreg:$0x1] =	wrdreg $0xFFFFFFFF  }
0xa7: {  	s28 =	simm.s32 $_size_execute0_lowered;
	s3 =	sadd.s32 s3, s5;
	[dreg:$0x0] =	wrdreg $0x0  }
0xa8: {  	s5 =	sshll.u32 s28, $0x1;
	[dreg:$0x2] =	wrdreg s3  }
0xa9: {  	[dreg:$0x3] =	wrdreg s5  }
0xaa: {  	[dreg:$0x4] =	wrdreg $0xC0  }
0xab: {  	_ =	task [dreg:s7], $0x5FFFF  }
0xac: {  	[dreg:$0x1] =	wrdreg $0xFFFFFFFF  }
0xad: {  	[dreg:$0x0] =	wrdreg $0x60  }
0xae: {  	[dreg:$0x2] =	wrdreg s24  }
0xaf: {  	[dreg:$0x3] =	wrdreg s2  }
0xb0: {  	[dreg:$0x4] =	wrdreg $0xDF000  }
0xb1: {  	[dreg:$0x5] =	wrdreg $0x9  }
0xb2: {  	_ =	task.clear_ibuf [dreg:s7], $0x6FFFF;
	_ =	strace $0x90000049  }
0xb3: {  	s29 =	simm.s32 $0x9;
	_ =	strace $0x8000004B  }
0xb4: {  	_ =	swait.ge [sflag:s29], $0x1  }
0xb5: {  	[sflag:s29] =	ssyncadd.s32 $0xFFFFFFFF  }
0xb6: {  	_ =	strace $0x9000004B  }
0xb7: {  	_ =	sfence  }
0xb8: {  	s30 =	sld [smem:$0x0];
	_ =	sdelay $0x2  }
0xb9: {  	s31 =	sshll.u32 s1, $0xD;
	s1 =	sshrl.u32 s1, $0x2  }
0xba: {  	s3 =	sand.u32 $0x4000, s31;
	s1 =	sadd.s32 s1, s30  }
0xbb: {  	s0 =	sor.u32 s3, s0;
	s1 =	sshll.u32 s1, $0x11  }
0xbc: {  	s0 =	sor.u32 s1, s0  }
0xbd: {  	s0 =	sadd.s32 $0x8F2B, s0  }
0xbe: {  	[sflag:s0] =	ssyncadd.remote.s32 $0x1  }
0xbf: {  	_ =	sfence.sel $0xFFFF  }
0xc0: {  	[dreg:$0x0] =	wrdreg $0xFFFFFFFF;
	(pc) =	sbr.abs _section_cstart, $3  }
0xc1: {  	[dreg:$0x1] =	wrdreg $0xFFFFFFFF  }
0xc2: {  	_ =	task.clear_ibuf [dreg:s7], $0x2FFFF;
	_ =	strace $0x9FFFFFFF  }
0xc3: {  	(tm) =	ssettm $0x7FFFFFFF  }
tec
execute0_lowered:
.L_overlay_start_1:
0x0: {  	(tag) =	ssettag $0x1  }
0x1: {  	s0 =	rddreg [dreg:$0x0]  }
0x2: {  	s3 =	rddreg [dreg:$0x2];
	s4 =	simm.s32 $0x0;
	s1 =	srdreg.scid  }
0x3: {  	s9 =	stileid.u32;
	s15 =	simm.s32 $0x1;
	s16 =	simm.s32 $0x7  }
0x4: {  	s17 =	simm.s32 $0x8;
	s18 =	simm.s32 $0x80;
	s28 =	simm.s32 $0x280  }
0x5: {  	s29 =	simm.s32 $0xC700;
	s30 =	simm.s32 $0x9;
	s31 =	simm.s32 $0x0  }
0x6: {  	s1 =	sand.u32 $0x1, s1;
	s2 =	smul.u32 $0x7530, s9;
	s5 =	sshll.u32 s9, $0x1  }
0x7: {  	[smem:$0x7FF] =	sst s4;
	p0 =	sgt.u32 s9, $0xD;
	s9 =	sshll.u32 s9, $0x6  }
0x8: {  	s6 =	smul.u32 $0x75300, s1;
	s7 =	sor.u32 s1, s5;
	_ =	strace $0x8000004A  }
0x9: {  	s5 =	sadd.s32 $0x15400, s0;
	s1 =	ssub.s32 $0x2, s1;
	s10 =	sor.u32 $0x1C01, s9  }
0xa: {  	s8 =	smul.u32 $0x4E, s7;
	s7 =	smax.u32 s7, $0x1C;
	s25 =	sshrl.u32 s1, $0x1  }
0xb: {  	s26 =	sadd.s32 s2, s3;
	s6 =	sadd.s32 s2, s6;
	s1 =	ssub.s32 s1, s25  }
0xc: {  	s14 =	sshrl.u32 s26, $0x3;
	s6 =	sshrl.u32 s6, $0x3;
	s7 =	sadd.s32 s8, s7  }
0xd: {  	s11 =	sadd.s32 s6, s0;
	s7 =	sshll.u32 s7, $0x4;
	s6 =	simm.s32 $0x4F  }
0xe: {  	s12 =	smax.u32 s1, $0x1;
	s0 =	sadd.s32 s0, s7;
	s6 =	simm.s32 @!p0 $0x4E  }
0xf: {  	s11 =	sadd.s32 $0x24000, s11;
	s7 =	sadd.s32 $0x1840, s0;
	s8 =	sadd.s32 $0xB480, s0  }
.LBB2_1:
0x10: {  	[tilespmem:s4], [sflag:$0x7] =	stream.linear.gather [hbm4b:s7+s4], $0x2780, $0x38;
	[tilespmem:$0x15430] =	vst v63  }
0x11: {  	s0 =	simm.s32 $0x2780;
	s19 =	rddreg [dreg:$0x1]  }
0x12: {  	[tilespmem:s0], [sflag:$0x8] =	stream.linear.gather [hbm4b:s8+s4], $0x2780, $0x38;
	[tilespmem:$0x15430] =	vst v63  }
0x13: {  	[spmem:s14], [sflag:s10] =	dma.local [hbm:s19], $0xEA6  }
0x14: {  	_ =	swait.ge [sflag:s15], $0xEA6  }
0x15: {  	[sflag:s15] =	ssyncset.done $0x0  }
0x16: {  	[sflag:s15] =	ssyncadd.s32 $0xFFFFF15A  }
0x17: {  	_ =	swait.ge [sflag:s16], $0x2780  }
0x18: {  	[sflag:s16] =	ssyncset.done $0x0  }
0x19: {  	[sflag:s16] =	ssyncadd.s32 $0xFFFFD880  }
0x1a: {  	_ =	swait.ge [sflag:s17], $0x2780  }
0x1b: {  	[sflag:s17] =	ssyncset.done $0x0  }
0x1c: {  	[sflag:s17] =	ssyncadd.s32 $0xFFFFD880  }
0x1d: {  	s20 =	simm.s32 $0x4F00;
	[bflag:$0x0] =	sbarrier.arrive $0xFFFF  }
0x1e: {  	[tilespmem:s20], [sflag:$0x1] =	stream.indirect.gather [hbm4b:s5+s18], $0x30, s4, s18, $0xb8;
	[tilespmem:$0x15430] =	vst v63  }
0x1f: {  	s21 =	simm.s32 $0x6700  }
0x20: {  	[tilespmem:s21], [sflag:$0x2] =	stream.indirect.gather [hbm4b:s5+s18], $0x30, s18, s18, $0xb8;
	[tilespmem:$0x15430] =	vst v63  }
0x21: {  	s22 =	simm.s32 $0x100;
	s1 =	simm.s32 $0x7F00  }
0x22: {  	[tilespmem:s1], [sflag:$0x3] =	stream.indirect.gather [hbm4b:s5+s18], $0x30, s22, s18, $0xb8;
	[tilespmem:$0x15430] =	vst v63  }
0x23: {  	s23 =	simm.s32 $0x180;
	s24 =	simm.s32 $0x9700  }
0x24: {  	[tilespmem:s24], [sflag:$0x4] =	stream.indirect.gather [hbm4b:s5+s18], $0x30, s23, s18, $0xb8;
	[tilespmem:$0x15430] =	vst v63  }
0x25: {  	s25 =	simm.s32 $0x200;
	s26 =	simm.s32 $0xAF00;
	p0 =	sle.u32 s6, $0x0  }
0x26: {  	[tilespmem:s26], [sflag:$0x5] =	stream.indirect.gather [hbm4b:s5+s18], $0x30, s25, s18, $0xb8;
	[tilespmem:$0x15430] =	vst v63  }
0x27: {  	s0 =	simm.s32 @!p0 $0x1  }
0x28: {  	[tilespmem:s29], [sflag:$0x6] =	stream.indirect.gather [hbm4b:s5+s18], $0x30, s28, s18, $0xb8;
	[tilespmem:$0x15430] =	vst v63  }
0x29: {  	s2 =	simm.s32 @!p0 $0x2780;
	_ =	swait.ge @!p0 [sflag:s0], $0x1800  }
0x2a: {  	s13 =	simm.s32 @!p0 $0x4F00;
	p1 =	sle.u32 @!p0 s6, $0x6;
	[sflag:s0] =	ssyncset.done @!p0 $0x0  }
0x2b: {  	s1 =	simm.s32 @!p0 $0x9;
	[sflag:s0] =	ssyncadd.s32 @!p0 $0xFFFFE800;
	s0 =	simm.s32 @!p0 $0x80  }
0x2c: {  	[spmem:s3] =	stream.indirect.scatter.add.f32 @!p0 [tilespmem:s13], [sflag:$0x9], $0x30, s2, s0, $0xb8;
	[tilespmem:$0x15430] =	vst v63  }
0x2d: {  	p2 =	por p1, p0;
	p1 =	sle.u32 s6, $0x1;
	_ =	swait.ge @!p0 [sflag:s1], $0x1800  }
0x2e: {  	s0 =	simm.s32 @!p2 $0x300;
	s2 =	simm.s32 @!p1 $0x2;
	[sflag:s1] =	ssyncset.done @!p0 $0x0  }
0x2f: {  	s13 =	simm.s32 @!p2 $0x4F00;
	[sflag:s1] =	ssyncadd.s32 @!p0 $0xFFFFE800;
	s1 =	simm.s32 @!p2 $0x80  }
0x30: {  	[tilespmem:s13], [sflag:$0x1] =	stream.indirect.gather @!p2 [hbm4b:s5+s1], $0x30, s0, s1, $0xb8;
	[tilespmem:$0x15430] =	vst v63  }
0x31: {  	s19 =	simm.s32 @!p1 $0x80;
	s20 =	simm.s32 @!p1 $0x6700;
	_ =	swait.ge @!p1 [sflag:s2], $0x1800  }
0x32: {  	p0 =	sle.u32 s6, $0x2;
	s1 =	simm.s32 @!p1 $0x2800;
	[sflag:s2] =	ssyncset.done @!p1 $0x0  }
0x33: {  	p2 =	sle.u32 @!p1 s6, $0x7;
	s13 =	simm.s32 @!p1 $0x9;
	[sflag:s2] =	ssyncadd.s32 @!p1 $0xFFFFE800  }
0x34: {  	[spmem:s3] =	stream.indirect.scatter.add.f32 @!p1 [tilespmem:s20], [sflag:$0x9], $0x30, s1, s19, $0xb8;
	[tilespmem:$0x15430] =	vst v63  }
0x35: {  	s0 =	simm.s32 $0x11;
	p2 =	por p2, p1;
	_ =	swait.ge @!p1 [sflag:s13], $0x1800  }
0x36: {  	s2 =	simm.s32 @!p2 $0x380;
	s1 =	simm.s32 @!p2 $0x6700;
	[sflag:s13] =	ssyncset.done @!p1 $0x0  }
0x37: {  	s19 =	simm.s32 @!p0 $0x3;
	[sflag:s13] =	ssyncadd.s32 @!p1 $0xFFFFE800;
	s13 =	simm.s32 @!p2 $0x80  }
0x38: {  	[tilespmem:s1], [sflag:$0x2] =	stream.indirect.gather @!p2 [hbm4b:s5+s13], $0x30, s2, s13, $0xb8;
	[tilespmem:$0x15430] =	vst v63  }
0x39: {  	s20 =	simm.s32 @!p0 $0x9;
	p1 =	sle.u32 @!p0 s6, $0x8;
	_ =	swait.ge @!p0 [sflag:s19], $0x1800  }
0x3a: {  	s1 =	simm.s32 @!p0 $0x2880;
	s2 =	simm.s32 @!p0 $0x7F00;
	[sflag:s19] =	ssyncset.done @!p0 $0x0  }
0x3b: {  	s13 =	simm.s32 @!p0 $0x80;
	p2 =	sle.u32 s6, $0x3;
	[sflag:s19] =	ssyncadd.s32 @!p0 $0xFFFFE800  }
0x3c: {  	[spmem:s3] =	stream.indirect.scatter.add.f32 @!p0 [tilespmem:s2], [sflag:$0x9], $0x30, s1, s13, $0xb8;
	[tilespmem:$0x15430] =	vst v63  }
0x3d: {  	p1 =	por p1, p0;
	s19 =	simm.s32 @!p2 $0x4;
	_ =	swait.ge @!p0 [sflag:s20], $0x1800  }
0x3e: {  	s1 =	simm.s32 @!p1 $0x7F00;
	s2 =	simm.s32 @!p1 $0x400;
	[sflag:s20] =	ssyncset.done @!p0 $0x0  }
0x3f: {  	s13 =	simm.s32 @!p1 $0x80;
	[sflag:s20] =	ssyncadd.s32 @!p0 $0xFFFFE800;
	s20 =	simm.s32 @!p2 $0x2900  }
0x40: {  	[tilespmem:s1], [sflag:$0x3] =	stream.indirect.gather @!p1 [hbm4b:s5+s13], $0x30, s2, s13, $0xb8;
	[tilespmem:$0x15430] =	vst v63  }
0x41: {  	p0 =	sle.u32 @!p2 s6, $0x9;
	s1 =	simm.s32 @!p2 $0x80;
	_ =	swait.ge @!p2 [sflag:s19], $0x1800  }
0x42: {  	s2 =	simm.s32 @!p2 $0x9700;
	s13 =	simm.s32 @!p2 $0x9;
	[sflag:s19] =	ssyncset.done @!p2 $0x0  }
0x43: {  	p3 =	por p0, p2;
	p0 =	sle.u32 s6, $0x4;
	[sflag:s19] =	ssyncadd.s32 @!p2 $0xFFFFE800  }
0x44: {  	[spmem:s3] =	stream.indirect.scatter.add.f32 @!p2 [tilespmem:s2], [sflag:$0x9], $0x30, s20, s1, $0xb8;
	[tilespmem:$0x15430] =	vst v63  }
0x45: {  	p1 =	sle.u32 s6, $0x5;
	s21 =	simm.s32 @!p0 $0xAF00;
	_ =	swait.ge @!p2 [sflag:s13], $0x1800  }
0x46: {  	s19 =	simm.s32 @!p3 $0x80;
	s1 =	simm.s32 @!p3 $0x480;
	[sflag:s13] =	ssyncset.done @!p2 $0x0  }
0x47: {  	s20 =	simm.s32 @!p3 $0x9700;
	[sflag:s13] =	ssyncadd.s32 @!p2 $0xFFFFE800;
	s13 =	simm.s32 @!p0 $0x5  }
0x48: {  	[tilespmem:s20], [sflag:$0x4] =	stream.indirect.gather @!p3 [hbm4b:s5+s19], $0x30, s1, s19, $0xb8;
	[tilespmem:$0x15430] =	vst v63  }
0x49: {  	s22 =	simm.s32 @!p1 $0x80;
	s23 =	simm.s32 @!p1 $0xC700;
	_ =	swait.ge @!p0 [sflag:s13], $0x1800  }
0x4a: {  	p2 =	sle.u32 @!p0 s6, $0xA;
	s1 =	simm.s32 @!p0 $0x2980;
	[sflag:s13] =	ssyncset.done @!p0 $0x0  }
0x4b: {  	s20 =	simm.s32 @!p0 $0x9;
	s19 =	simm.s32 @!p0 $0x80;
	[sflag:s13] =	ssyncadd.s32 @!p0 $0xFFFFE800  }
0x4c: {  	[spmem:s3] =	stream.indirect.scatter.add.f32 @!p0 [tilespmem:s21], [sflag:$0x9], $0x30, s1, s19, $0xb8;
	[tilespmem:$0x15430] =	vst v63  }
0x4d: {  	s2 =	simm.s32 $0xC00;
	p2 =	por p2, p0;
	_ =	swait.ge @!p0 [sflag:s20], $0x1800  }
0x4e: {  	p3 =	sle.u32 @!p1 s6, $0xB;
	s13 =	simm.s32 @!p2 $0x500;
	[sflag:s20] =	ssyncset.done @!p0 $0x0  }
0x4f: {  	s1 =	simm.s32 @!p2 $0xAF00;
	[sflag:s20] =	ssyncadd.s32 @!p0 $0xFFFFE800;
	s20 =	simm.s32 @!p2 $0x80  }
0x50: {  	[tilespmem:s1], [sflag:$0x5] =	stream.indirect.gather @!p2 [hbm4b:s5+s20], $0x30, s13, s20, $0xb8;
	[tilespmem:$0x15430] =	vst v63  }
0x51: {  	s19 =	simm.s32 @!p1 $0x9;
	s21 =	simm.s32 @!p1 $0x6;
	s20 =	simm.s32 @!p1 $0x2A00  }
0x52: {  	p2 =	por p3, p1;
	s1 =	simm.s32 $0x0;
	_ =	swait.ge @!p1 [sflag:s21], $0x1800  }
.LBB2_2:
0x53: {  	[sflag:s21] =	ssyncset.done @!p1 $0x0;
	s24 =	sshra.s32 @!p2 s1, $0x2  }
0x54: {  	s13 =	smov.u32 s0;
	s0 =	sadd.s32 $0x6, s0;
	s1 =	smov.u32 s2  }
0x55: {  	p0 =	sne.s32 s0, $0x5F;
	[sflag:s21] =	ssyncadd.s32 @!p1 $0xFFFFE800;
	s21 =	sadd.s32 @!p2 $0x580, s24  }
0x56: {  	[spmem:s3] =	stream.indirect.scatter.add.f32 @!p1 [tilespmem:s23], [sflag:$0x9], $0x30, s20, s22, $0xb8;
	[tilespmem:$0x15430] =	vst v63  }
0x57: {  	s20 =	simm.s32 @!p2 $0x80;
	s22 =	simm.s32 @!p2 $0xC700;
	_ =	swait.ge @!p1 [sflag:s19], $0x1800  }
0x58: {  	[sflag:s19] =	ssyncset.done @!p1 $0x0  }
0x59: {  	s23 =	sadd.s32 $0xFFFFFFF5, s13;
	[sflag:s19] =	ssyncadd.s32 @!p1 $0xFFFFE800  }
0x5a: {  	[tilespmem:s22], [sflag:$0x6] =	stream.indirect.gather @!p2 [hbm4b:s5+s20], $0x30, s21, s20, $0xb8;
	[tilespmem:$0x15430] =	vst v63  }
0x5b: {  	s19 =	sadd.s32 $0xFFFFFFF7, s13;
	p2 =	sge.u32 s23, s6  }
0x5c: {  	s20 =	simm.s32 @!p2 $0x1;
	s21 =	sshra.s32 @!p2 s2, $0x2;
	s22 =	simm.s32 @!p2 $0x9  }
0x5d: {  	s23 =	sadd.s32 @!p2 $0xFFFFFFFB, s13;
	s21 =	sadd.s32 @!p2 $0x2780, s21;
	_ =	swait.ge @!p2 [sflag:s20], $0x1800  }
0x5e: {  	p1 =	sge.u32 s19, s6;
	p3 =	sge.u32 @!p2 s23, s6;
	[sflag:s20] =	ssyncset.done @!p2 $0x0  }
0x5f: {  	s19 =	simm.s32 @!p2 $0x80;
	[sflag:s20] =	ssyncadd.s32 @!p2 $0xFFFFE800;
	s20 =	simm.s32 @!p2 $0x4F00  }
0x60: {  	[spmem:s3] =	stream.indirect.scatter.add.f32 @!p2 [tilespmem:s20], [sflag:$0x9], $0x30, s21, s19, $0xb8;
	[tilespmem:$0x15430] =	vst v63  }
0x61: {  	p3 =	por p3, p2;
	s19 =	sshra.s32 @!p1 s2, $0x2;
	_ =	swait.ge @!p2 [sflag:s22], $0x1800  }
0x62: {  	s20 =	sshra.s32 @!p3 s2, $0x2;
	s21 =	sadd.s32 $0xFFFFFFF6, s13;
	[sflag:s22] =	ssyncset.done @!p2 $0x0  }
0x63: {  	s20 =	sadd.s32 @!p3 $0x300, s20;
	[sflag:s22] =	ssyncadd.s32 @!p2 $0xFFFFE800;
	p2 =	sge.u32 s21, s6  }
0x64: {  	s21 =	simm.s32 @!p3 $0x80;
	s22 =	simm.s32 @!p2 $0x2;
	s23 =	sshra.s32 @!p2 s2, $0x2  }
0x65: {  	s24 =	simm.s32 @!p3 $0x4F00;
	s25 =	sadd.s32 @!p2 $0xFFFFFFFC, s13;
	s23 =	sadd.s32 @!p2 $0x2800, s23  }
0x66: {  	s19 =	sadd.s32 @!p1 $0x2880, s19;
	p4 =	sge.u32 @!p2 s25, s6;
	s25 =	sadd.s32 @!p1 $0xFFFFFFFD, s13  }
0x67: {  	[tilespmem:s24], [sflag:$0x1] =	stream.indirect.gather @!p3 [hbm4b:s5+s21], $0x30, s20, s21, $0xb8;
	[tilespmem:$0x15430] =	vst v63  }
0x68: {  	p4 =	por p4, p2;
	s20 =	simm.s32 @!p2 $0x9;
	_ =	swait.ge @!p2 [sflag:s22], $0x1800  }
0x69: {  	s21 =	simm.s32 @!p2 $0x80;
	s24 =	simm.s32 @!p2 $0x6700;
	[sflag:s22] =	ssyncset.done @!p2 $0x0  }
0x6a: {  	s26 =	simm.s32 @!p4 $0x6700;
	[sflag:s22] =	ssyncadd.s32 @!p2 $0xFFFFE800;
	s22 =	sshra.s32 @!p4 s2, $0x2  }
0x6b: {  	[spmem:s3] =	stream.indirect.scatter.add.f32 @!p2 [tilespmem:s24], [sflag:$0x9], $0x30, s23, s21, $0xb8;
	[tilespmem:$0x15430] =	vst v63  }
0x6c: {  	s21 =	sadd.s32 @!p4 $0x380, s22;
	s22 =	simm.s32 @!p1 $0x3;
	_ =	swait.ge @!p2 [sflag:s20], $0x1800  }
0x6d: {  	p3 =	sge.u32 @!p1 s25, s6;
	s23 =	simm.s32 @!p1 $0x7F00;
	[sflag:s20] =	ssyncset.done @!p2 $0x0  }
0x6e: {  	p3 =	por p3, p1;
	[sflag:s20] =	ssyncadd.s32 @!p2 $0xFFFFE800;
	s20 =	simm.s32 @!p4 $0x80  }
0x6f: {  	[tilespmem:s26], [sflag:$0x2] =	stream.indirect.gather @!p4 [hbm4b:s5+s20], $0x30, s21, s20, $0xb8;
	[tilespmem:$0x15430] =	vst v63  }
0x70: {  	s20 =	simm.s32 @!p1 $0x80;
	s21 =	simm.s32 @!p3 $0x7F00;
	_ =	swait.ge @!p1 [sflag:s22], $0x1800  }
0x71: {  	s25 =	sshra.s32 @!p3 s2, $0x2;
	s24 =	simm.s32 @!p1 $0x9;
	[sflag:s22] =	ssyncset.done @!p1 $0x0  }
0x72: {  	[sflag:s22] =	ssyncadd.s32 @!p1 $0xFFFFE800;
	s22 =	sadd.s32 @!p3 $0x400, s25;
	s25 =	sadd.s32 $0xFFFFFFF8, s13  }
0x73: {  	[spmem:s3] =	stream.indirect.scatter.add.f32 @!p1 [tilespmem:s23], [sflag:$0x9], $0x30, s19, s20, $0xb8;
	[tilespmem:$0x15430] =	vst v63  }
0x74: {  	s19 =	simm.s32 @!p3 $0x80;
	p2 =	sge.u32 s25, s6;
	_ =	swait.ge @!p1 [sflag:s24], $0x1800  }
0x75: {  	s20 =	simm.s32 @!p2 $0x4;
	s23 =	sshra.s32 @!p2 s2, $0x2;
	[sflag:s24] =	ssyncset.done @!p1 $0x0  }
0x76: {  	s23 =	sadd.s32 @!p2 $0x2900, s23;
	[sflag:s24] =	ssyncadd.s32 @!p1 $0xFFFFE800;
	s24 =	sadd.s32 @!p2 $0xFFFFFFFE, s13  }
0x77: {  	[tilespmem:s21], [sflag:$0x3] =	stream.indirect.gather @!p3 [hbm4b:s5+s19], $0x30, s22, s19, $0xb8;
	[tilespmem:$0x15430] =	vst v63  }
0x78: {  	s19 =	simm.s32 @!p2 $0x80;
	s21 =	simm.s32 @!p2 $0x9700;
	_ =	swait.ge @!p2 [sflag:s20], $0x1800  }
0x79: {  	s22 =	simm.s32 @!p2 $0x9;
	p1 =	sge.u32 @!p2 s24, s6;
	[sflag:s20] =	ssyncset.done @!p2 $0x0  }
0x7a: {  	p4 =	por p1, p2;
	[sflag:s20] =	ssyncadd.s32 @!p2 $0xFFFFE800;
	s20 =	sadd.s32 $0xFFFFFFFA, s13  }
0x7b: {  	s2 =	sadd.s32 $0xC00, s2;
	s24 =	sshra.s32 @!p4 s1, $0x2;
	p1 =	sge.u32 s20, s6  }
0x7c: {  	[spmem:s3] =	stream.indirect.scatter.add.f32 @!p2 [tilespmem:s21], [sflag:$0x9], $0x30, s23, s19, $0xb8;
	[tilespmem:$0x15430] =	vst v63  }
0x7d: {  	s20 =	sadd.s32 @!p4 $0x480, s24;
	s19 =	sadd.s32 $0xFFFFFFF9, s13;
	_ =	swait.ge @!p2 [sflag:s22], $0x1800  }
0x7e: {  	s21 =	simm.s32 @!p4 $0x80;
	p3 =	sge.u32 s19, s6;
	[sflag:s22] =	ssyncset.done @!p2 $0x0  }
0x7f: {  	s19 =	sshra.s32 @!p3 s1, $0x2;
	[sflag:s22] =	ssyncadd.s32 @!p2 $0xFFFFE800;
	s22 =	simm.s32 @!p3 $0x5  }
0x80: {  	s23 =	simm.s32 @!p4 $0x9700;
	s24 =	sadd.s32 @!p3 $0x2980, s19;
	s19 =	sadd.s32 @!p3 $0xFFFFFFFF, s13  }
0x81: {  	s25 =	sshra.s32 @!p1 s1, $0x2;
	p2 =	sge.u32 @!p3 s19, s6;
	s19 =	simm.s32 @!p1 $0x9  }
0x82: {  	[tilespmem:s23], [sflag:$0x4] =	stream.indirect.gather @!p4 [hbm4b:s5+s21], $0x30, s20, s21, $0xb8;
	[tilespmem:$0x15430] =	vst v63  }
0x83: {  	s23 =	simm.s32 @!p3 $0x9;
	p4 =	por p2, p3;
	_ =	swait.ge @!p3 [sflag:s22], $0x1800  }
0x84: {  	s20 =	simm.s32 @!p3 $0x80;
	s21 =	simm.s32 @!p3 $0xAF00;
	[sflag:s22] =	ssyncset.done @!p3 $0x0  }
0x85: {  	s26 =	simm.s32 @!p4 $0xAF00;
	[sflag:s22] =	ssyncadd.s32 @!p3 $0xFFFFE800;
	s22 =	sshra.s32 @!p4 s1, $0x2  }
0x86: {  	[spmem:s3] =	stream.indirect.scatter.add.f32 @!p3 [tilespmem:s21], [sflag:$0x9], $0x30, s24, s20, $0xb8;
	[tilespmem:$0x15430] =	vst v63  }
0x87: {  	s22 =	sadd.s32 @!p4 $0x500, s22  }
.Ltmp0:
0x88: {  	s20 =	sadd.s32 @!p1 $0x2A00, s25;
	_ =	swait.ge @!p3 [sflag:s23], $0x1800;
	(pc) =	sbr.rel @p0 .LBB2_2-.Ltmp0, $4  }
0x89: {  	p2 =	sge.u32 @!p1 s13, s6;
	s21 =	simm.s32 @!p1 $0x6;
	[sflag:s23] =	ssyncset.done @!p3 $0x0  }
0x8a: {  	s13 =	simm.s32 @!p4 $0x80;
	p2 =	por p2, p1;
	[sflag:s23] =	ssyncadd.s32 @!p3 $0xFFFFE800  }
0x8b: {  	[tilespmem:s26], [sflag:$0x5] =	stream.indirect.gather @!p4 [hbm4b:s5+s13], $0x30, s22, s13, $0xb8;
	[tilespmem:$0x15430] =	vst v63  }
0x8c: {  	s23 =	simm.s32 @!p1 $0xC700;
	s22 =	simm.s32 @!p1 $0x80;
	_ =	swait.ge @!p1 [sflag:s21], $0x1800  }
0x8d: {  	[sflag:s21] =	ssyncset.done @!p1 $0x0  }
0x8e: {  	[sflag:s21] =	ssyncadd.s32 @!p1 $0xFFFFE800  }
0x8f: {  	[spmem:s3] =	stream.indirect.scatter.add.f32 @!p1 [tilespmem:s23], [sflag:$0x9], $0x30, s20, s22, $0xb8;
	[tilespmem:$0x15430] =	vst v63  }
0x90: {  	s0 =	sshra.s32 @!p2 s1, $0x2;
	s1 =	simm.s32 @!p2 $0x80;
	_ =	swait.ge @!p1 [sflag:s19], $0x1800  }
0x91: {  	s2 =	simm.s32 @!p2 $0xC700;
	s31 =	sadd.s32 $0x1, s31;
	[sflag:s19] =	ssyncset.done @!p1 $0x0  }
0x92: {  	s0 =	sadd.s32 @!p2 $0x580, s0;
	p0 =	sne.s32 s31, s12;
	[sflag:s19] =	ssyncadd.s32 @!p1 $0xFFFFE800  }
0x93: {  	[tilespmem:s2], [sflag:$0x6] =	stream.indirect.gather @!p2 [hbm4b:s5+s1], $0x30, s0, s1, $0xb8;
	[tilespmem:$0x15430] =	vst v63  }
.Ltmp1:
0x94: {  	s26 =	sor.u32 $0x1C09, s9;
	[bflag:$0x0] =	sbarrier.arrive $0xFFFF;
	(pc) =	sbr.rel @p0 .LBB2_1-.Ltmp1, $4  }
0x95: {  	[hbm:s11], [sflag:s26] =	dma.local [spmem:s14], $0xEA6  }
0x96: {  	_ =	swait.ge [sflag:s30], $0xEA6  }
0x97: {  	[sflag:s30] =	ssyncset.done $0x0  }
0x98: {  	[sflag:s30] =	ssyncadd.s32 $0xFFFFF15A  }
0x99: {  	_ =	sfence.sel $0x180000  }
0x9a: {  	[bflag:$0x0] =	sbarrier.arrive $0xFFFF  }
0x9b: {  	_ =	strace $0x9000004A  }
0x9c: {  	s0 =	stileid.u32;
	[bflag:$0x2] =	sbarrier.arrive $0xFFFF  }
0x9d: {  	p0 =	sne.s32 s0, $0x0;
	s0 =	rddreg [dreg:$0x3]  }
0x9e: {  	s0 =	sadd.s32 @!p0 $0x100000, s0  }
0x9f: {  	[sflag:s0] =	ssyncadd.tile.s32 @!p0 $0x1;
	_ =	shalt  }
.Lfunc_end2:
_tile_overlayer_lowered:
.L_overlay_start_2:
0xa0: {  	(tag) =	ssettag $0x2  }
0xa1: {  	s0 =	rddreg [dreg:$0x0];
	s2 =	stileid.u32  }
0xa2: {  	s1 =	rddreg [dreg:$0x1];
	p0 =	sne.s32 s2, $0x0  }
0xa3: {  	s3 =	rddreg [dreg:$0x2];
	[bflag:$0x3] =	sbarrier.arrive $0xFFFF;
	s2 =	simm.s32 @!p0 $0x1C09  }
0xa4: {  	[timem:s3], [sflag:s2] =	dma.local @!p0 [hbm:s0], s1  }
0xa5: {  	s0 =	simm.s32 @!p0 $0x9  }
0xa6: {  	_ =	swait.ge @!p0 [sflag:s0], s1  }
0xa7: {  	s1 =	ssub.s32 @!p0 $0x0, s1;
	[sflag:s0] =	ssyncset.done @!p0 $0x0  }
0xa8: {  	[sflag:s0] =	ssyncadd.s32 @!p0 s1  }
0xa9: {  	[bflag:$0x3] =	sbarrier.arrive $0xFFFF  }
0xaa: {  	_ =	shalt  }

// kernel: kernel.7.cloned.1.call-start
scs
__scs_entry_jumppad:
0x0: {  	(pc) =	sbr.rel $0x88, $3  }
0x1: {  	(tag) =	ssettag $0x0;
	lr =	simm.s32 $0x1  }
0x2: {  	[smem:$0x3F99] =	sst lr;
	_ =	strace $0xD0000000  }
0x3: {  	_ = 	snop  }
0x4: {  	_ = 	snop  }
0x5: {  	_ = 	snop  }
0x6: {  	_ = 	snop  }
0x7: {  	_ = 	snop  }
__scs_overlays_trampoline_lowered:
0x8: {  	[smem:$0x3FA8] =	sst s0  }
0x9: {  	[smem:$0x3FA9] =	sst s1  }
0xa: {  	[smem:$0x3FAA] =	sst s2  }
0xb: {  	[smem:$0x3FAB] =	sst s3  }
0xc: {  	[smem:$0x3FAC] =	sst s4  }
0xd: {  	[smem:$0x3FAD] =	sst s5  }
0xe: {  	[smem:$0x3FAE] =	sst s6  }
0xf: {  	[smem:$0x3FAF] =	sst s7  }
0x10: {  	[smem:$0x3FB0] =	sst s8  }
0x11: {  	[smem:$0x3FB1] =	sst s9;
	s0 =	simm.s32 @!p0 $0x0  }
0x12: {  	s1 =	sld [smem:$0x3F97];
	s0 =	simm.s32 @p0 $0x1  }
0x13: {  	[smem:$0x3FB2] =	sst s0;
	s0 =	simm.s32 @!p1 $0x0  }
0x14: {  	s2 =	sld [smem:$0x3F96];
	s0 =	simm.s32 @p1 $0x1  }
0x15: {  	[smem:$0x3FB3] =	sst s0;
	s0 =	simm.s32 @!p2 $0x0  }
0x16: {  	s3 =	sld [smem:$0x3FDB];
	s0 =	simm.s32 @p2 $0x1  }
0x17: {  	s4 =	simm.s32 $0x1BF5;
	[smem:$0x3FB5] =	sst s0  }
0x18: {  	s0 =	sld [smem:$0x3F98];
	_ =	swait.ge [sflag:s4], $0x0  }
0x19: {  	s7 =	sld [smem:$0x3F99]  }
0x1a: {  	s8 =	sadd.s32 $0xFFFFE003, lr  }
0x1b: {  	s9 =	sadd.s32 $0xFFFFFEF7, lr;
	s5 =	simm.s32 $0xFFFFFFFF;
	p2 =	slt.u32 s8, $0xFFFFF086  }
0x1c: {  	p1 =	slt.u32 s9, $0xF7A;
	s5 =	simm.s32 @!p2 $0x0  }
0x1d: {  	s5 =	simm.s32 @p1 $0x1;
	p0 =	seq.s32 s7, s2  }
0x1e: {  	s7 =	smul.u32 @!p0 $0xF7A, s2;
	p2 =	seq.s32 @!p0 s5, $0x0  }
0x1f: {  	s9 =	smul.u32 $0xF7A, s1;
	s8 =	simm.s32 @!p0 $0x1BF5;
	p2 =	por !p2, p0  }
0x20: {  	[sflag:s8] =	ssyncset.s32 @!p0 $0xFFFFF086;
	s6 =	sadd.s32 @!p0 s3, s7;
	s7 =	simm.s32 @!p0 $0x108  }
0x21: {  	s3 =	sadd.s32 s3, s9;
	s6 =	sadd.s32 @!p0 $0x88, s6;
	s7 =	simm.s32 @p2 $0x1082  }
0x22: {  	[simem:s7], [sflag:s8] =	dma.local @!p0 [hbm:s6], $0xF7A  }
0x23: {  	s9 =	sor.u32 $0xD0000000, s2;
	s6 =	simm.s32 $0x108;
	_ =	swait.ge @!p0 [sflag:s8], $0x0  }
0x24: {  	s3 =	sadd.s32 $0x88, s3;
	s6 =	simm.s32 @!p1 $0x1082;
	[sflag:s4] =	ssyncset.s32 $0xFFFFF086  }
0x25: {  	[simem:s6], [sflag:s4] =	dma.local [hbm:s3], $0xF7A  }
0x26: {  	[smem:$0x3F99] =	sst s1;
	(tag) =	ssettag s2;
	_ =	strace s9  }
0x27: {  	s1 =	sld [smem:$0x3FA9]  }
0x28: {  	s2 =	sld [smem:$0x3FAA]  }
0x29: {  	s4 =	sld [smem:$0x3FAC]  }
0x2a: {  	p0 =	seq.s32 s5, $0x0;
	s5 =	sld [smem:$0x3FAD]  }
0x2b: {  	s6 =	sld [smem:$0x3FAE]  }
0x2c: {  	s7 =	sld [smem:$0x3FAF]  }
0x2d: {  	s3 =	simm.s32 $0x108;
	s8 =	sld [smem:$0x3FB0]  }
0x2e: {  	s3 =	simm.s32 @!p0 $0x1082;
	s9 =	sld [smem:$0x3FB1]  }
0x2f: {  	lr =	sadd.s32 s0, s3;
	s0 =	sld [smem:$0x3FA8]  }
0x30: {  	s3 =	sld [smem:$0x3FAB]  }
0x31: {  	[smem:$0x3FB4] =	sst s10  }
0x32: {  	s10 =	sld [smem:$0x3FB2];
	_ =	sdelay $0x3  }
0x33: {  	p0 =	seq.s32 s10, $0x1;
	s10 =	sld [smem:$0x3FB4];
	_ =	sdelay $0x3  }
0x34: {  	[smem:$0x3FB4] =	sst s10  }
0x35: {  	s10 =	sld [smem:$0x3FB3];
	_ =	sdelay $0x3  }
0x36: {  	p1 =	seq.s32 s10, $0x1;
	s10 =	sld [smem:$0x3FB4];
	_ =	sdelay $0x3  }
0x37: {  	[smem:$0x3FB4] =	sst s10  }
0x38: {  	s10 =	sld [smem:$0x3FB5]  }
0x39: {  	_ = 	snop;
	(pc) =	sbr.ind lr, $3  }
0x3a: {  	_ = 	snop  }
0x3b: {  	_ = 	snop  }
0x3c: {  	p2 =	seq.s32 s10, $0x1;
	s10 =	sld [smem:$0x3FB4]  }
0x3d: {  	_ =	shalt  }
0x3e: {  	_ =	shalt  }
0x3f: {  	_ =	shalt  }
0x40: {  	_ =	shalt  }
0x41: {  	_ =	shalt  }
0x42: {  	_ =	shalt  }
0x43: {  	_ =	shalt  }
0x44: {  	_ =	shalt  }
0x45: {  	_ =	shalt  }
0x46: {  	_ =	shalt  }
0x47: {  	_ =	shalt  }
0x48: {  	_ =	shalt  }
0x49: {  	_ =	shalt  }
0x4a: {  	_ =	shalt  }
0x4b: {  	_ =	shalt  }
0x4c: {  	_ =	shalt  }
0x4d: {  	_ =	shalt  }
0x4e: {  	_ =	shalt  }
0x4f: {  	_ =	shalt  }
0x50: {  	_ =	shalt  }
0x51: {  	_ =	shalt  }
0x52: {  	_ =	shalt  }
0x53: {  	_ =	shalt  }
0x54: {  	_ =	shalt  }
0x55: {  	_ =	shalt  }
0x56: {  	_ =	shalt  }
0x57: {  	_ =	shalt  }
0x58: {  	_ =	shalt  }
0x59: {  	_ =	shalt  }
0x5a: {  	_ =	shalt  }
0x5b: {  	_ =	shalt  }
0x5c: {  	_ =	shalt  }
0x5d: {  	_ =	shalt  }
0x5e: {  	_ =	shalt  }
0x5f: {  	_ =	shalt  }
0x60: {  	_ =	shalt  }
0x61: {  	_ =	shalt  }
0x62: {  	_ =	shalt  }
0x63: {  	_ =	shalt  }
0x64: {  	_ =	shalt  }
0x65: {  	_ =	shalt  }
0x66: {  	_ =	shalt  }
0x67: {  	_ =	shalt  }
0x68: {  	_ =	shalt  }
0x69: {  	_ =	shalt  }
0x6a: {  	_ =	shalt  }
0x6b: {  	_ =	shalt  }
0x6c: {  	_ =	shalt  }
0x6d: {  	_ =	shalt  }
0x6e: {  	_ =	shalt  }
0x6f: {  	_ =	shalt  }
0x70: {  	_ =	shalt  }
0x71: {  	_ =	shalt  }
0x72: {  	_ =	shalt  }
0x73: {  	_ =	shalt  }
0x74: {  	_ =	shalt  }
0x75: {  	_ =	shalt  }
0x76: {  	_ =	shalt  }
0x77: {  	_ =	shalt  }
0x78: {  	_ =	shalt  }
0x79: {  	_ =	shalt  }
0x7a: {  	_ =	shalt  }
0x7b: {  	_ =	shalt  }
0x7c: {  	_ =	shalt  }
0x7d: {  	_ =	shalt  }
0x7e: {  	_ =	shalt  }
0x7f: {  	_ =	shalt  }
0x80: {  	_ =	shalt  }
0x81: {  	_ =	shalt  }
0x82: {  	_ =	shalt  }
0x83: {  	_ =	shalt  }
0x84: {  	_ =	shalt  }
0x85: {  	_ =	shalt  }
0x86: {  	_ =	shalt  }
0x87: {  	_ =	shalt  }
.Lfunc_end0:
.L_simem_size_0:
called_computation_lowered:
.L_overlay_start_0:
0x88: {  	s2 =	sld [smem:$0x3FD9]  }
0x89: {  	s3 =	sld [smem:$0x3FFE];
	_ =	sdelay $0x1  }
0x8a: {  	s1 =	srdreg.scid  }
0x8b: {  	s0 =	sand.u32 $0x1, s1  }
0x8c: {  	s17 =	sshll.u32 s0, $0xA;
	s2 =	sadd.s32 s3, s2  }
0x8d: {  	s2 =	sadd.s32 s2, s17  }
0x8e: {  	[smem:$0x3FC0] =	sst s2  }
0x8f: {  	_ = 	snop  }
0x90: {  	s2 =	sld [smem:$0x3FD0];
	(tm) =	ssettm $0x1  }
0x91: {  	s18 =	sld [smem:$0x3FFB];
	_ =	sdelay $0x3  }
0x92: {  	_ =	strace s18  }
0x93: {  	s3 =	sld [smem:$0x3FFC];
	_ =	sdelay $0x3  }
0x94: {  	_ =	strace s3  }
0x95: {  	s3 =	sld [smem:$0x3FFD];
	_ =	sdelay $0x3  }
0x96: {  	_ =	strace s3  }
0x97: {  	_ =	strace $0x8FFFFFFF  }
0x98: {  	s19 =	sld [smem:$0x3FDB];
	_ =	sdelay $0x1  }
0x99: {  	s4 =	simm.s32 $_scs_section_size  }
0x9a: {  	s5 =	simm.s32 $_size__tile_overlayer_lowered;
	s6 =	simm.s32 $_tile_overlayer_lowered  }
0x9b: {  	s22 =	simm.s32 $0x1BFF;
	s21 =	sshll.u32 s6, $0x1;
	s3 =	sadd.s32 s4, s19  }
0x9c: {  	s7 =	simm.s32 $0x0;
	s20 =	sshll.u32 s5, $0x1;
	s5 =	sadd.s32 s21, s3  }
0x9d: {  	[timem:s7], [sflag:s22] =	dma.local [hbm:s5], s20  }
0x9e: {  	_ =	swait.ge [sflag:s22], s20  }
0x9f: {  	s4 =	ssub.s32 $0x0, s20;
	[sflag:s22] =	ssyncset.done $0x0  }
0xa0: {  	[sflag:s22] =	ssyncadd.s32 s4;
	_ =	sdelay $0x1  }
0xa1: {  	s23 =	simm.s32 $0x1B8B  }
0xa2: {  	_ =	swait.ge [sflag:s23], $0x1  }
0xa3: {  	[sflag:s23] =	ssyncset.done $0x0  }
0xa4: {  	s25 =	simm.s32 $0x1B8E;
	s24 =	sld [smem:$0x3FFE];
	[sflag:s23] =	ssyncadd.s32 $0xFFFFFFFF  }
0xa5: {  	s26 =	simm.s32 $execute0_lowered;
	[smem:$0x3FD2] =	sst s25  }
0xa6: {  	s5 =	sshll.u32 s26, $0x1;
	_ =	strace $0x80000046;
	[dreg:$0x1] =	wrdreg $0xFFFFFFFF  }
0xa7: {  	s28 =	simm.s32 $_size_execute0_lowered;
	s3 =	sadd.s32 s3, s5;
	[dreg:$0x0] =	wrdreg $0x0  }
0xa8: {  	s5 =	sshll.u32 s28, $0x1;
	[dreg:$0x2] =	wrdreg s3  }
0xa9: {  	[dreg:$0x3] =	wrdreg s5  }
0xaa: {  	[dreg:$0x4] =	wrdreg $0xC0  }
0xab: {  	_ =	task [dreg:s7], $0x5FFFF  }
0xac: {  	[dreg:$0x1] =	wrdreg $0xFFFFFFFF  }
0xad: {  	[dreg:$0x0] =	wrdreg $0x60  }
0xae: {  	[dreg:$0x2] =	wrdreg s24  }
0xaf: {  	[dreg:$0x3] =	wrdreg s2  }
0xb0: {  	[dreg:$0x4] =	wrdreg $0x12D000  }
0xb1: {  	[dreg:$0x5] =	wrdreg $0x9  }
0xb2: {  	_ =	task.clear_ibuf [dreg:s7], $0x6FFFF;
	_ =	strace $0x90000046  }
0xb3: {  	s29 =	simm.s32 $0x9;
	_ =	strace $0x80000048  }
0xb4: {  	_ =	swait.ge [sflag:s29], $0x1  }
0xb5: {  	[sflag:s29] =	ssyncadd.s32 $0xFFFFFFFF  }
0xb6: {  	_ =	strace $0x90000048  }
0xb7: {  	_ =	sfence  }
0xb8: {  	s30 =	sld [smem:$0x0];
	_ =	sdelay $0x2  }
0xb9: {  	s31 =	sshll.u32 s1, $0xD;
	s1 =	sshrl.u32 s1, $0x2  }
0xba: {  	s3 =	sand.u32 $0x4000, s31;
	s1 =	sadd.s32 s1, s30  }
0xbb: {  	s0 =	sor.u32 s3, s0;
	s1 =	sshll.u32 s1, $0x11  }
0xbc: {  	s0 =	sor.u32 s1, s0  }
0xbd: {  	s0 =	sadd.s32 $0x8F2B, s0  }
0xbe: {  	[sflag:s0] =	ssyncadd.remote.s32 $0x1  }
0xbf: {  	_ =	sfence.sel $0xFFFF  }
0xc0: {  	[dreg:$0x0] =	wrdreg $0xFFFFFFFF;
	(pc) =	sbr.abs _section_cstart, $3  }
0xc1: {  	[dreg:$0x1] =	wrdreg $0xFFFFFFFF  }
0xc2: {  	_ =	task.clear_ibuf [dreg:s7], $0x2FFFF;
	_ =	strace $0x9FFFFFFF  }
0xc3: {  	(tm) =	ssettm $0x7FFFFFFF  }
tec
execute0_lowered:
.L_overlay_start_1:
0x0: {  	(tag) =	ssettag $0x1  }
0x1: {  	s0 =	rddreg [dreg:$0x0]  }
0x2: {  	s2 =	rddreg [dreg:$0x2];
	s3 =	srdreg.scid;
	s4 =	simm.s32 $0x0  }
0x3: {  	s1 =	stileid.u32;
	s15 =	simm.s32 $0x1;
	s16 =	simm.s32 $0x5  }
0x4: {  	s17 =	simm.s32 $0x6;
	s18 =	simm.s32 $0x80;
	s23 =	simm.s32 $0x180  }
0x5: {  	s24 =	simm.s32 $0x10900;
	s25 =	simm.s32 $0x7;
	s26 =	simm.s32 $0x0  }
0x6: {  	s5 =	sand.u32 $0x1, s3;
	[smem:$0x7FF] =	sst s4;
	s8 =	smul.u32 $0xAFC8, s1  }
0x7: {  	s9 =	smul.u32 $0x9C, s1;
	s28 =	smax.u32 s1, $0xC;
	p0 =	sgt.u32 s1, $0xB  }
0x8: {  	s6 =	smul.u32 $0xAFC80, s5;
	_ =	strace $0x80000047;
	s11 =	ssub.s32 $0x2, s5  }
0x9: {  	s5 =	simm.s32 $0x9D;
	s29 =	sadd.s32 s9, s28;
	s30 =	sshrl.u32 s11, $0x1  }
0xa: {  	s5 =	simm.s32 @!p0 $0x9C;
	s31 =	sadd.s32 s8, s2;
	s7 =	sshrl.u32 s6, $0x3  }
0xb: {  	s6 =	sadd.s32 s8, s6;
	s13 =	ssub.s32 s11, s30;
	s8 =	sshll.u32 s1, $0x6  }
0xc: {  	s10 =	sadd.s32 s7, s0;
	s6 =	sshrl.u32 s6, $0x3;
	s7 =	sshll.u32 s29, $0x4  }
0xd: {  	s14 =	sshrl.u32 s31, $0x3;
	s12 =	sadd.s32 s6, s0;
	s0 =	sadd.s32 s0, s7  }
0xe: {  	s9 =	sor.u32 $0x1C01, s8;
	s10 =	sadd.s32 $0x15400, s10;
	s6 =	sadd.s32 $0x1940, s0  }
0xf: {  	s7 =	sadd.s32 $0xB580, s0;
	s11 =	sadd.s32 $0x41400, s12;
	s12 =	smax.u32 s13, $0x1  }
.LBB2_1:
0x10: {  	[tilespmem:s4], [sflag:$0x5] =	stream.linear.gather [hbm4b:s6+s4], $0x4E80, $0x38;
	[tilespmem:$0x1DCC8] =	vst v63  }
0x11: {  	s0 =	simm.s32 $0x4E80;
	s20 =	rddreg [dreg:$0x1]  }
0x12: {  	[tilespmem:s0], [sflag:$0x6] =	stream.linear.gather [hbm4b:s7+s4], $0x4E80, $0x38;
	[tilespmem:$0x1DCC8] =	vst v63  }
0x13: {  	[spmem:s14], [sflag:s9] =	dma.local [hbm:s20], $0x15F9  }
0x14: {  	_ =	swait.ge [sflag:s15], $0x15F9  }
0x15: {  	[sflag:s15] =	ssyncset.done $0x0  }
0x16: {  	[sflag:s15] =	ssyncadd.s32 $0xFFFFEA07  }
0x17: {  	_ =	swait.ge [sflag:s16], $0x4E80  }
0x18: {  	[sflag:s16] =	ssyncset.done $0x0  }
0x19: {  	[sflag:s16] =	ssyncadd.s32 $0xFFFFB180  }
0x1a: {  	_ =	swait.ge [sflag:s17], $0x4E80  }
0x1b: {  	[sflag:s17] =	ssyncset.done $0x0  }
0x1c: {  	[sflag:s17] =	ssyncadd.s32 $0xFFFFB180  }
0x1d: {  	s21 =	simm.s32 $0x9D00;
	[bflag:$0x0] =	sbarrier.arrive $0xFFFF  }
0x1e: {  	[tilespmem:s21], [sflag:$0x1] =	stream.indirect.gather [hbm4b:s10+s18], $0x48, s4, s18, $0xb8;
	[tilespmem:$0x1DCC8] =	vst v63  }
0x1f: {  	s22 =	simm.s32 $0xC100  }
0x20: {  	[tilespmem:s22], [sflag:$0x2] =	stream.indirect.gather [hbm4b:s10+s18], $0x48, s18, s18, $0xb8;
	[tilespmem:$0x1DCC8] =	vst v63  }
0x21: {  	s31 =	simm.s32 $0x100;
	s1 =	simm.s32 $0xE500;
	p0 =	sle.u32 s5, $0x0  }
0x22: {  	[tilespmem:s1], [sflag:$0x3] =	stream.indirect.gather [hbm4b:s10+s18], $0x48, s31, s18, $0xb8;
	[tilespmem:$0x1DCC8] =	vst v63  }
0x23: {  	s0 =	simm.s32 @!p0 $0x1  }
0x24: {  	[tilespmem:s24], [sflag:$0x4] =	stream.indirect.gather [hbm4b:s10+s18], $0x48, s23, s18, $0xb8;
	[tilespmem:$0x1DCC8] =	vst v63  }
0x25: {  	s28 =	simm.s32 @!p0 $0x7;
	_ =	swait.ge @!p0 [sflag:s0], $0x2400  }
0x26: {  	s29 =	simm.s32 @!p0 $0x4E80;
	s30 =	simm.s32 @!p0 $0x9D00;
	[sflag:s0] =	ssyncset.done @!p0 $0x0  }
0x27: {  	p1 =	sle.u32 @!p0 s5, $0x4;
	[sflag:s0] =	ssyncadd.s32 @!p0 $0xFFFFDC00;
	s0 =	simm.s32 @!p0 $0x80  }
0x28: {  	[spmem:s2] =	stream.indirect.scatter.add.f32 @!p0 [tilespmem:s30], [sflag:$0x7], $0x48, s29, s0, $0xb8;
	[tilespmem:$0x1DCC8] =	vst v63  }
0x29: {  	p2 =	por p1, p0;
	p1 =	sle.u32 s5, $0x1;
	_ =	swait.ge @!p0 [sflag:s28], $0x2400  }
0x2a: {  	s0 =	simm.s32 @!p2 $0x200;
	s29 =	simm.s32 @!p1 $0x2;
	[sflag:s28] =	ssyncset.done @!p0 $0x0  }
0x2b: {  	s30 =	simm.s32 @!p2 $0x9D00;
	[sflag:s28] =	ssyncadd.s32 @!p0 $0xFFFFDC00;
	s28 =	simm.s32 @!p2 $0x80  }
0x2c: {  	[tilespmem:s30], [sflag:$0x1] =	stream.indirect.gather @!p2 [hbm4b:s10+s28], $0x48, s0, s28, $0xb8;
	[tilespmem:$0x1DCC8] =	vst v63  }
0x2d: {  	s0 =	simm.s32 @!p1 $0x4F00;
	_ =	swait.ge @!p1 [sflag:s29], $0x2400  }
0x2e: {  	p2 =	sle.u32 @!p1 s5, $0x5;
	s28 =	simm.s32 @!p1 $0x7;
	[sflag:s29] =	ssyncset.done @!p1 $0x0  }
0x2f: {  	s30 =	simm.s32 @!p1 $0x80;
	[sflag:s29] =	ssyncadd.s32 @!p1 $0xFFFFDC00;
	s29 =	simm.s32 @!p1 $0xC100  }
0x30: {  	[spmem:s2] =	stream.indirect.scatter.add.f32 @!p1 [tilespmem:s29], [sflag:$0x7], $0x48, s0, s30, $0xb8;
	[tilespmem:$0x1DCC8] =	vst v63  }
0x31: {  	p0 =	sle.u32 s5, $0x2;
	p2 =	por p2, p1;
	_ =	swait.ge @!p1 [sflag:s28], $0x2400  }
0x32: {  	s0 =	simm.s32 @!p2 $0xC100;
	s29 =	simm.s32 @!p2 $0x280;
	[sflag:s28] =	ssyncset.done @!p1 $0x0  }
0x33: {  	s30 =	simm.s32 @!p0 $0x3;
	[sflag:s28] =	ssyncadd.s32 @!p1 $0xFFFFDC00;
	s28 =	simm.s32 @!p2 $0x80  }
0x34: {  	[tilespmem:s0], [sflag:$0x2] =	stream.indirect.gather @!p2 [hbm4b:s10+s28], $0x48, s29, s28, $0xb8;
	[tilespmem:$0x1DCC8] =	vst v63  }
0x35: {  	p1 =	sle.u32 @!p0 s5, $0x6;
	_ =	swait.ge @!p0 [sflag:s30], $0x2400  }
0x36: {  	s0 =	simm.s32 @!p0 $0x4F80;
	s28 =	simm.s32 @!p0 $0xE500;
	[sflag:s30] =	ssyncset.done @!p0 $0x0  }
0x37: {  	s29 =	simm.s32 @!p0 $0x80;
	[sflag:s30] =	ssyncadd.s32 @!p0 $0xFFFFDC00;
	s30 =	simm.s32 @!p0 $0x7  }
0x38: {  	[spmem:s2] =	stream.indirect.scatter.add.f32 @!p0 [tilespmem:s28], [sflag:$0x7], $0x48, s0, s29, $0xb8;
	[tilespmem:$0x1DCC8] =	vst v63  }
0x39: {  	p1 =	por p1, p0;
	p2 =	sle.u32 s5, $0x3;
	_ =	swait.ge @!p0 [sflag:s30], $0x2400  }
0x3a: {  	s0 =	simm.s32 @!p1 $0xE500;
	s28 =	simm.s32 @!p1 $0x300;
	[sflag:s30] =	ssyncset.done @!p0 $0x0  }
0x3b: {  	s29 =	simm.s32 @!p1 $0x80;
	[sflag:s30] =	ssyncadd.s32 @!p0 $0xFFFFDC00;
	s30 =	simm.s32 @!p2 $0x4  }
0x3c: {  	[tilespmem:s0], [sflag:$0x3] =	stream.indirect.gather @!p1 [hbm4b:s10+s29], $0x48, s28, s29, $0xb8;
	[tilespmem:$0x1DCC8] =	vst v63  }
0x3d: {  	p0 =	sle.u32 @!p2 s5, $0x7;
	s0 =	simm.s32 @!p2 $0x5000;
	_ =	swait.ge @!p2 [sflag:s30], $0x2400  }
0x3e: {  	s28 =	simm.s32 @!p2 $0x80;
	s29 =	simm.s32 @!p2 $0x10900;
	[sflag:s30] =	ssyncset.done @!p2 $0x0  }
0x3f: {  	p1 =	por p0, p2;
	[sflag:s30] =	ssyncadd.s32 @!p2 $0xFFFFDC00;
	s30 =	simm.s32 $0x0  }
0x40: {  	[spmem:s2] =	stream.indirect.scatter.add.f32 @!p2 [tilespmem:s29], [sflag:$0x7], $0x48, s0, s28, $0xb8;
	[tilespmem:$0x1DCC8] =	vst v63  }
0x41: {  	s28 =	simm.s32 $0x4;
	s0 =	simm.s32 @!p2 $0x7;
	s29 =	simm.s32 $0x800  }
.LBB2_2:
0x42: {  	_ =	swait.ge @!p2 [sflag:s0], $0x2400;
	s3 =	sshra.s32 @!p1 s30, $0x2  }
0x43: {  	s31 =	smov.u32 s28;
	s28 =	sadd.s32 $0x4, s28;
	s30 =	smov.u32 s29  }
0x44: {  	p0 =	sne.s32 s28, $0xA0;
	[sflag:s0] =	ssyncset.done @!p2 $0x0;
	s3 =	sadd.s32 @!p1 $0x380, s3  }
0x45: {  	s1 =	simm.s32 @!p1 $0x10900;
	[sflag:s0] =	ssyncadd.s32 @!p2 $0xFFFFDC00;
	s0 =	simm.s32 @!p1 $0x80  }
0x46: {  	[tilespmem:s1], [sflag:$0x4] =	stream.indirect.gather @!p1 [hbm4b:s10+s0], $0x48, s3, s0, $0xb8;
	[tilespmem:$0x1DCC8] =	vst v63  }
0x47: {  	_ = 	snop  }
0x48: {  	p2 =	sge.u32 s31, s5;
	s0 =	sadd.s32 $0x2, s31  }
0x49: {  	s1 =	simm.s32 @!p2 $0x1;
	s3 =	sshra.s32 @!p2 s29, $0x2;
	s13 =	simm.s32 @!p2 $0x7  }
0x4a: {  	s19 =	sadd.s32 @!p2 $0x4, s31;
	s3 =	sadd.s32 @!p2 $0x4E80, s3;
	_ =	swait.ge @!p2 [sflag:s1], $0x2400  }
0x4b: {  	p3 =	sge.u32 @!p2 s19, s5;
	p1 =	sge.u32 s0, s5;
	[sflag:s1] =	ssyncset.done @!p2 $0x0  }
0x4c: {  	s0 =	simm.s32 @!p2 $0x80;
	[sflag:s1] =	ssyncadd.s32 @!p2 $0xFFFFDC00;
	s1 =	simm.s32 @!p2 $0x9D00  }
0x4d: {  	[spmem:s2] =	stream.indirect.scatter.add.f32 @!p2 [tilespmem:s1], [sflag:$0x7], $0x48, s3, s0, $0xb8;
	[tilespmem:$0x1DCC8] =	vst v63  }
0x4e: {  	p3 =	por p3, p2;
	s0 =	sshra.s32 @!p1 s29, $0x2;
	_ =	swait.ge @!p2 [sflag:s13], $0x2400  }
0x4f: {  	s1 =	sshra.s32 @!p3 s29, $0x2;
	s3 =	sadd.s32 $0x1, s31;
	[sflag:s13] =	ssyncset.done @!p2 $0x0  }
0x50: {  	s1 =	sadd.s32 @!p3 $0x200, s1;
	[sflag:s13] =	ssyncadd.s32 @!p2 $0xFFFFDC00;
	p2 =	sge.u32 s3, s5  }
0x51: {  	s3 =	simm.s32 @!p3 $0x80;
	s13 =	simm.s32 @!p2 $0x2;
	s19 =	sshra.s32 @!p2 s29, $0x2  }
0x52: {  	s20 =	simm.s32 @!p3 $0x9D00;
	s21 =	sadd.s32 @!p2 $0x5, s31;
	s19 =	sadd.s32 @!p2 $0x4F00, s19  }
0x53: {  	s0 =	sadd.s32 @!p1 $0x4F80, s0;
	p4 =	sge.u32 @!p2 s21, s5;
	s21 =	sadd.s32 @!p1 $0x6, s31  }
0x54: {  	[tilespmem:s20], [sflag:$0x1] =	stream.indirect.gather @!p3 [hbm4b:s10+s3], $0x48, s1, s3, $0xb8;
	[tilespmem:$0x1DCC8] =	vst v63  }
0x55: {  	p4 =	por p4, p2;
	s1 =	simm.s32 @!p2 $0x7;
	_ =	swait.ge @!p2 [sflag:s13], $0x2400  }
0x56: {  	s3 =	simm.s32 @!p2 $0x80;
	s20 =	simm.s32 @!p2 $0xC100;
	[sflag:s13] =	ssyncset.done @!p2 $0x0  }
0x57: {  	s22 =	simm.s32 @!p4 $0xC100;
	[sflag:s13] =	ssyncadd.s32 @!p2 $0xFFFFDC00;
	s13 =	sshra.s32 @!p4 s29, $0x2  }
0x58: {  	[spmem:s2] =	stream.indirect.scatter.add.f32 @!p2 [tilespmem:s20], [sflag:$0x7], $0x48, s19, s3, $0xb8;
	[tilespmem:$0x1DCC8] =	vst v63  }
0x59: {  	s3 =	sadd.s32 @!p4 $0x280, s13;
	s13 =	simm.s32 @!p1 $0x3;
	_ =	swait.ge @!p2 [sflag:s1], $0x2400  }
0x5a: {  	p3 =	sge.u32 @!p1 s21, s5;
	s19 =	simm.s32 @!p1 $0xE500;
	[sflag:s1] =	ssyncset.done @!p2 $0x0  }
0x5b: {  	p3 =	por p3, p1;
	[sflag:s1] =	ssyncadd.s32 @!p2 $0xFFFFDC00;
	s1 =	simm.s32 @!p4 $0x80  }
0x5c: {  	[tilespmem:s22], [sflag:$0x2] =	stream.indirect.gather @!p4 [hbm4b:s10+s1], $0x48, s3, s1, $0xb8;
	[tilespmem:$0x1DCC8] =	vst v63  }
0x5d: {  	s1 =	simm.s32 @!p1 $0x80;
	s3 =	simm.s32 @!p3 $0xE500;
	_ =	swait.ge @!p1 [sflag:s13], $0x2400  }
0x5e: {  	s21 =	sshra.s32 @!p3 s29, $0x2;
	s20 =	simm.s32 @!p1 $0x7;
	[sflag:s13] =	ssyncset.done @!p1 $0x0  }
0x5f: {  	[sflag:s13] =	ssyncadd.s32 @!p1 $0xFFFFDC00;
	s13 =	sadd.s32 @!p3 $0x300, s21;
	s21 =	sadd.s32 $0x3, s31  }
0x60: {  	[spmem:s2] =	stream.indirect.scatter.add.f32 @!p1 [tilespmem:s19], [sflag:$0x7], $0x48, s0, s1, $0xb8;
	[tilespmem:$0x1DCC8] =	vst v63  }
0x61: {  	s0 =	simm.s32 @!p3 $0x80;
	p2 =	sge.u32 s21, s5;
	_ =	swait.ge @!p1 [sflag:s20], $0x2400  }
0x62: {  	s1 =	simm.s32 @!p2 $0x4;
	s19 =	sshra.s32 @!p2 s29, $0x2;
	[sflag:s20] =	ssyncset.done @!p1 $0x0  }
0x63: {  	s19 =	sadd.s32 @!p2 $0x5000, s19;
	[sflag:s20] =	ssyncadd.s32 @!p1 $0xFFFFDC00;
	s20 =	sadd.s32 @!p2 $0x7, s31  }
0x64: {  	[tilespmem:s3], [sflag:$0x3] =	stream.indirect.gather @!p3 [hbm4b:s10+s0], $0x48, s13, s0, $0xb8;
	[tilespmem:$0x1DCC8] =	vst v63  }
.Ltmp0:
0x65: {  	_ = 	snop;
	(pc) =	sbr.rel @p0 .LBB2_2-.Ltmp0, $4  }
0x66: {  	s3 =	simm.s32 @!p2 $0x80;
	s13 =	simm.s32 @!p2 $0x10900;
	_ =	swait.ge @!p2 [sflag:s1], $0x2400  }
0x67: {  	s0 =	simm.s32 @!p2 $0x7;
	p1 =	sge.u32 @!p2 s20, s5;
	[sflag:s1] =	ssyncset.done @!p2 $0x0  }
0x68: {  	s29 =	sadd.s32 $0x800, s29;
	p1 =	por p1, p2;
	[sflag:s1] =	ssyncadd.s32 @!p2 $0xFFFFDC00  }
0x69: {  	[spmem:s2] =	stream.indirect.scatter.add.f32 @!p2 [tilespmem:s13], [sflag:$0x7], $0x48, s19, s3, $0xb8;
	[tilespmem:$0x1DCC8] =	vst v63  }
0x6a: {  	_ =	swait.ge @!p2 [sflag:s0], $0x2400;
	s1 =	sshra.s32 @!p1 s30, $0x2;
	s3 =	simm.s32 @!p1 $0x10900  }
0x6b: {  	s26 =	sadd.s32 $0x1, s26;
	[sflag:s0] =	ssyncset.done @!p2 $0x0;
	s1 =	sadd.s32 @!p1 $0x380, s1  }
0x6c: {  	p0 =	sne.s32 s26, s12;
	[sflag:s0] =	ssyncadd.s32 @!p2 $0xFFFFDC00;
	s0 =	simm.s32 @!p1 $0x80  }
0x6d: {  	[tilespmem:s3], [sflag:$0x4] =	stream.indirect.gather @!p1 [hbm4b:s10+s0], $0x48, s1, s0, $0xb8;
	[tilespmem:$0x1DCC8] =	vst v63  }
.Ltmp1:
0x6e: {  	s31 =	sor.u32 $0x1C07, s8;
	[bflag:$0x0] =	sbarrier.arrive $0xFFFF;
	(pc) =	sbr.rel @p0 .LBB2_1-.Ltmp1, $4  }
0x6f: {  	[hbm:s11], [sflag:s31] =	dma.local [spmem:s14], $0x15F9  }
0x70: {  	_ =	swait.ge [sflag:s25], $0x15F9  }
0x71: {  	[sflag:s25] =	ssyncset.done $0x0  }
0x72: {  	[sflag:s25] =	ssyncadd.s32 $0xFFFFEA07  }
0x73: {  	_ =	sfence.sel $0x180000  }
0x74: {  	[bflag:$0x0] =	sbarrier.arrive $0xFFFF  }
0x75: {  	_ =	strace $0x90000047  }
0x76: {  	s0 =	stileid.u32;
	[bflag:$0x2] =	sbarrier.arrive $0xFFFF  }
0x77: {  	p0 =	sne.s32 s0, $0x0;
	s0 =	rddreg [dreg:$0x3]  }
0x78: {  	s0 =	sadd.s32 @!p0 $0x100000, s0  }
0x79: {  	[sflag:s0] =	ssyncadd.tile.s32 @!p0 $0x1;
	_ =	shalt  }
.Lfunc_end2:
_tile_overlayer_lowered:
.L_overlay_start_2:
0x7a: {  	(tag) =	ssettag $0x2  }
0x7b: {  	s0 =	rddreg [dreg:$0x0];
	s2 =	stileid.u32  }
0x7c: {  	s1 =	rddreg [dreg:$0x1];
	p0 =	sne.s32 s2, $0x0  }
0x7d: {  	s3 =	rddreg [dreg:$0x2];
	[bflag:$0x3] =	sbarrier.arrive $0xFFFF;
	s2 =	simm.s32 @!p0 $0x1C07  }
0x7e: {  	[timem:s3], [sflag:s2] =	dma.local @!p0 [hbm:s0], s1  }
0x7f: {  	s0 =	simm.s32 @!p0 $0x7  }
0x80: {  	_ =	swait.ge @!p0 [sflag:s0], s1  }
0x81: {  	s1 =	ssub.s32 @!p0 $0x0, s1;
	[sflag:s0] =	ssyncset.done @!p0 $0x0  }
0x82: {  	[sflag:s0] =	ssyncadd.s32 @!p0 s1  }
0x83: {  	[bflag:$0x3] =	sbarrier.arrive $0xFFFF  }
0x84: {  	_ =	shalt  }

</sc_bundles>
